<compile_context>
chip_gen: v7x
topology: tpu7x:2x2x1
jax: 0.10.2.dev20260603
libtpu: 0.0.44.dev20260713+nightly
codegen_flags: <defaults>
</compile_context>

<pallas_src>
import jax
import jax.numpy as jnp
from jax import lax
from jax.experimental import pallas as pl
from jax.experimental.pallas import tpu as pltpu
from jax.experimental.pallas import tpu_sc as plsc

M = 1000000
D = 16
B = 16384
L = 16
NC = 2
NS = 16
NW = NC * NS
RPW = 31256
LAST = M - (NW - 1) * RPW
NV = B // L
SG = 8


def _body(idx_hbm, val_hbm, out_hbm,
          idx_v, winner, dst_l, src_l, eidx, sidx, stage, ibuf, mbuf, lmbuf,
          cbuf, idx_sem, g_sem, s_sem):
    cid = lax.axis_index("c")
    sid = lax.axis_index("s")
    wid = sid * NC + cid
    lo = pl.multiple_of(wid * RPW, 8)
    rows = jnp.where(wid == NW - 1, LAST, RPW)

    pltpu.async_copy(idx_hbm, idx_v, idx_sem).wait()

    iota = lax.iota(jnp.int32, L)

    def scan_body(j, n):
        iv = idx_v[pl.ds(j * L, L)]
        local = iv - lo
        m = (local >= 0) & (local < rows)
        jv = j * L + iota
        nm = jnp.sum(m.astype(jnp.int32))
        cbuf[0] = jnp.int32(0)

        @pl.when(nm > 0)
        def _():
            _scan_nonempty(n, iv, local, m, jv, nm)

        return n + cbuf[0]

    def _scan_nonempty(n, iv, local, m, jv, nm):
        plsc.store_scatter(winner, [local], jv, mask=m)
        g = plsc.load_gather(winner, [local], mask=m)
        w1 = m & (g == jv)
        has_dup = nm != jnp.sum(w1.astype(jnp.int32))
        lmbuf[...] = w1.astype(jnp.int32)

        @pl.when(has_dup)
        def _():
            ibuf[pl.ds(0, L)] = iv
            ibuf[pl.ds(L, L)] = jnp.full((L,), -1, jnp.int32)
            mbuf[pl.ds(0, L)] = m.astype(jnp.int32)
            mbuf[pl.ds(L, L)] = jnp.zeros((L,), jnp.int32)
            loser = jnp.zeros((L,), jnp.bool_)
            for s in range(1, L):
                shiv = ibuf[pl.ds(s, L)]
                shm = mbuf[pl.ds(s, L)] != 0
                loser = loser | ((iv == shiv) & shm)
            lmm = m & jnp.logical_not(loser)
            plsc.store_scatter(winner, [local], jv, mask=lmm)
            lmbuf[...] = lmm.astype(jnp.int32)

        lm = lmbuf[...] != 0
        plsc.store_compressed(dst_l.at[pl.ds(n, L)], local, mask=lm)
        plsc.store_compressed(src_l.at[pl.ds(n, L)], jv, mask=lm)
        cbuf[0] = jnp.sum(lm.astype(jnp.int32))

    n = lax.fori_loop(0, NV, scan_body, jnp.int32(0))

    def filt_body(k, nf):
        dv = dst_l[pl.ds(k * L, L)]
        sv = src_l[pl.ds(k * L, L)]
        valid = (k * L + iota) < n
        w = plsc.load_gather(winner, [dv], mask=valid)
        keep = valid & (w == sv)
        plsc.store_compressed(dst_l.at[pl.ds(nf, L)], dv, mask=keep)
        plsc.store_compressed(src_l.at[pl.ds(nf, L)], sv, mask=keep)
        return nf + jnp.sum(keep.astype(jnp.int32))

    nf = lax.fori_loop(0, (n + L - 1) // L, filt_body, jnp.int32(0))

    @pl.when(nf > 0)
    def _():
        zeros16 = jnp.zeros((L,), jnp.int32)
        d0 = plsc.load_gather(dst_l, [zeros16])
        s0 = plsc.load_gather(src_l, [zeros16])

        @pl.when(nf % L != 0)
        def _():
            tv = (nf // L) * L
            posm = (tv + iota) < nf
            cd = dst_l[pl.ds(tv, L)]
            cs = src_l[pl.ds(tv, L)]
            dst_l[pl.ds(tv, L)] = jnp.where(posm, cd, d0)
            src_l[pl.ds(tv, L)] = jnp.where(posm, cs, s0)

        def sg_body(g, _):
            for e in range(SG):
                bc = jnp.full((L,), g * SG + e, jnp.int32)
                de = plsc.load_gather(dst_l, [bc])
                se = plsc.load_gather(src_l, [bc])
                eidx.at[0][pl.ds(e * D, D)] = (de + lo) * D + iota
                sidx.at[0][pl.ds(e * D, D)] = se * D + iota
            pltpu.async_copy(val_hbm.at[sidx.at[0]], stage, g_sem).wait()
            pltpu.async_copy(stage, out_hbm.at[eidx.at[0]], s_sem).wait()
            return 0

        lax.fori_loop(0, (nf + SG - 1) // SG, sg_body, 0)


_scatter_call_cache = []


def _scatter_call():
    if not _scatter_call_cache:
        _scatter_call_cache.append(pl.kernel(
            _body,
            out_type=(),
            mesh=plsc.VectorSubcoreMesh(core_axis_name="c",
                                        subcore_axis_name="s"),
            compiler_params=pltpu.CompilerParams(needs_layout_passes=False,
                                                 use_tc_tiling_on_sc=False),
            scratch_types=[
                pltpu.VMEM((B,), jnp.int32),
                pltpu.VMEM((RPW + L,), jnp.int32),
                pltpu.VMEM((B + L,), jnp.int32),
                pltpu.VMEM((B + L,), jnp.int32),
                pltpu.VMEM((1, SG * D), jnp.int32),
                pltpu.VMEM((1, SG * D), jnp.int32),
                pltpu.VMEM((SG * D,), jnp.float32),
                pltpu.VMEM((2 * L,), jnp.int32),
                pltpu.VMEM((2 * L,), jnp.int32),
                pltpu.VMEM((L,), jnp.int32),
                pltpu.SMEM((1,), jnp.int32),
                pltpu.SemaphoreType.DMA,
                pltpu.SemaphoreType.DMA,
                pltpu.SemaphoreType.DMA,
            ],
        ))
    return _scatter_call_cache[0]


def kernel(mem, idx, val):
    out_ref = jax.new_ref(mem.reshape(M * D))
    _scatter_call()(idx.astype(jnp.int32), val.reshape(B * D), out_ref)
    return jax.freeze(out_ref).reshape(M, D)

# --- scband reference (transcript-rebuilt; emitter-appended) ---
"""Pipeline reference for scband-amrgrid-39788577030386 (READ-ONLY COPY).

The authoritative reference and input builder live on the scoring server;
editing this copy changes nothing except your own understanding.
"""

import jax, jax.numpy as jnp
import numpy as np

M = 1000000
D = 16
B = 16384

def setup_inputs(seed: int = 0) -> dict:
    key = jax.random.key(seed)
    k1, k2, k3 = jax.random.split(key, 3)
    mem = jax.random.normal(k1, (M, D), dtype=jnp.float32)
    idx = jax.random.randint(k2, (B,), 0, M, dtype=jnp.int64)
    val = jax.random.normal(k3, (B, D), dtype=jnp.float32)
    return {"mem": mem, "idx": idx, "val": val}

def reference(mem, idx, val):
    # AMRGrid block-activation pattern (AMRLevel.with_block_active, vectorized):
    # scatter-overwrite rows of the grid's block storage at the activated block
    # indices. Core op: mem.at[idx].set(val) -- a row-wise scatter-write into a
    # large resident memory table, exactly the scatter_memory pattern.
    out = mem.at[idx].set(val)
    return out

if __name__ == "__main__":
    import jax
    _d = setup_inputs()
    print(jax.jit(kernel)(*tuple(_d.values())))

</pallas_src>

<mosaic_0001>
#map = affine_map<(d0, d1) -> (0)>
module attributes {stable_mosaic.version = 14 : i64} {
  func.func @new_body(%arg0: i32, %arg1: i32, %arg2: memref<16384xi32, #tpu.memory_space<hbm>>, %arg3: memref<262144xf32, #tpu.memory_space<hbm>>, %arg4: memref<16000000xf32, #tpu.memory_space<hbm>>, %arg5: memref<16000000xf32, #tpu.memory_space<hbm>>, %arg6: memref<16384xi32, #tpu.memory_space<vmem>>, %arg7: memref<31272xi32, #tpu.memory_space<vmem>>, %arg8: memref<16400xi32, #tpu.memory_space<vmem>>, %arg9: memref<16400xi32, #tpu.memory_space<vmem>>, %arg10: memref<1x128xi32, #tpu.memory_space<vmem>>, %arg11: memref<1x128xi32, #tpu.memory_space<vmem>>, %arg12: memref<128xf32, #tpu.memory_space<vmem>>, %arg13: memref<32xi32, #tpu.memory_space<vmem>>, %arg14: memref<32xi32, #tpu.memory_space<vmem>>, %arg15: memref<16xi32, #tpu.memory_space<vmem>>, %arg16: memref<1xi32, #tpu.memory_space<smem>>, %arg17: memref<!tpu.dma_semaphore, #tpu.memory_space<semaphore_mem>>, %arg18: memref<!tpu.dma_semaphore, #tpu.memory_space<semaphore_mem>>, %arg19: memref<!tpu.dma_semaphore, #tpu.memory_space<semaphore_mem>>) attributes {dimension_semantics = [#tpu.dimension_semantics<core_parallel>, #tpu.dimension_semantics<subcore_parallel>], iteration_bounds = array<i64: 2, 16>, scalar_prefetch = 0 : i64, scratch_operands = 14 : i64, tpu.core_type = #tpu.core_type<sc_vector_subcore>, window_params = [{transform_indices = #map}, {transform_indices = #map}, {transform_indices = #map}, {transform_indices = #map}]} {
    %mul3A = arith.constant 2 : i32
    %mul3A_0 = arith.muli %arg1, %mul3A : i32
    %add3A = arith.addi %mul3A_0, %arg0 : i32
    %mul3A_1 = arith.constant 31256 : i32
    %mul3A_2 = arith.muli %add3A, %mul3A_1 : i32
    %multiple_of3A = tpu.assume_multiple %mul3A_2, 8 : i32
    %eq3A = arith.constant 31 : i32
    %eq3A_3 = arith.cmpi eq, %add3A, %eq3A : i32
    %jit3A = arith.constant 31064 : i32
    %jit3A_4 = arith.constant 31256 : i32
    %select_n3A = arith.select %eq3A_3, %jit3A, %jit3A_4 : i32
    tpu.enqueue_dma source(%arg2 : memref<16384xi32, #tpu.memory_space<hbm>>) target(%arg6 : memref<16384xi32, #tpu.memory_space<vmem>>) target_semaphore(%arg17 : memref<!tpu.dma_semaphore, #tpu.memory_space<semaphore_mem>>)
    tpu.wait_dma2 semaphore(%arg17 : memref<!tpu.dma_semaphore, #tpu.memory_space<semaphore_mem>>) src(%arg2 : memref<16384xi32, #tpu.memory_space<hbm>>) dst(%arg6 : memref<16384xi32, #tpu.memory_space<vmem>>)
    %iota3A = tpu.iota {dimensions = array<i32: 0>} : vector<16xi32>
    %scan3A = arith.constant 0 : i32
    %scan3A_5 = arith.constant 0 : i32
    %scan3A_6 = arith.constant 1024 : i32
    %scan3A_7 = arith.addi %scan3A_5, %scan3A_6 : i32
    %scan3A_8 = arith.constant 1 : i32
    %scan3A_9 = scf.for %scan3A_46 = %scan3A_5 to %scan3A_7 step %scan3A_8 iter_args(%scan3A_47 = %scan3A) -> (i32)  : i32 {
      %mul3A_48 = arith.constant 16 : i32
      %mul3A_49 = arith.muli %scan3A_46, %mul3A_48 : i32
      %get3A = arith.index_cast %mul3A_49 : i32 to index
      %get3A_50 = tpu.vector_load %arg6[%get3A] {strides = array<i32>} : memref<16384xi32, #tpu.memory_space<vmem>>, vector<16xi32>,
      %sub3A_51 = vector.broadcast %multiple_of3A : i32 to vector<16xi32>
      %sub3A_52 = arith.subi %get3A_50, %sub3A_51 : vector<16xi32>
      %ge3A = arith.constant 0 : i32
      %ge3A_53 = vector.broadcast %ge3A : i32 to vector<16xi32>
      %ge3A_54 = arith.cmpi sge, %sub3A_52, %ge3A_53 : vector<16xi32>
      %lt3A = vector.broadcast %select_n3A : i32 to vector<16xi32>
      %lt3A_55 = arith.cmpi slt, %sub3A_52, %lt3A : vector<16xi32>
      %and3A_56 = arith.andi %ge3A_54, %lt3A_55 : vector<16xi1>
      %mul3A_57 = arith.constant 16 : i32
      %mul3A_58 = arith.muli %scan3A_46, %mul3A_57 : i32
      %add3A_59 = vector.broadcast %mul3A_58 : i32 to vector<16xi32>
      %add3A_60 = arith.addi %add3A_59, %iota3A : vector<16xi32>
      %convert_element_type3A_61 = arith.extui %and3A_56 : vector<16xi1> to vector<16xi32>
      %reduce_sum3A = arith.constant true
      %reduce_sum3A_62 = vector.broadcast %reduce_sum3A : i1 to vector<16xi1>
      %reduce_sum3A_63 = tpu.scan <sum>, %convert_element_type3A_61 masked %reduce_sum3A_62 : vector<16xi32>, vector<16xi1> -> vector<16xi32>
      %reduce_sum3A_64 = vector.extract %reduce_sum3A_63[15] : i32 from vector<16xi32>
      %swap3A = arith.constant 0 : i32
      %swap3A_65 = arith.constant 0 : i32
      %swap3A_66 = arith.index_cast %swap3A_65 : i32 to index
      %swap3A_67 = memref.load %arg16[%swap3A_66] : memref<1xi32, #tpu.memory_space<smem>>
      memref.store %swap3A, %arg16[%swap3A_66] : memref<1xi32, #tpu.memory_space<smem>>
      %gt3A_68 = arith.constant 0 : i32
      %gt3A_69 = arith.cmpi sgt, %reduce_sum3A_64, %gt3A_68 : i32
      %convert_element_type3A_70 = arith.extui %gt3A_69 : i1 to i32
      %cond3A_71 = arith.constant 0 : i32
      %cond3A_72 = arith.cmpi ne, %convert_element_type3A_70, %cond3A_71 : i32
      scf.if %cond3A_72 {
        tpu.vector_store_idx %arg7[%sub3A_52], %add3A_60 masked %and3A_56 : memref<31272xi32, #tpu.memory_space<vmem>>[vector<16xi32>], vector<16xi32>, vector<16xi1>
        %gather3A = tpu.vector_load_idx %arg7[%sub3A_52] masked %and3A_56 : memref<31272xi32, #tpu.memory_space<vmem>>[vector<16xi32>], vector<16xi32>, vector<16xi1>
        %eq3A_77 = arith.cmpi eq, %gather3A, %add3A_60 : vector<16xi32>
        %and3A_78 = arith.andi %and3A_56, %eq3A_77 : vector<16xi1>
        %convert_element_type3A_79 = arith.extui %and3A_78 : vector<16xi1> to vector<16xi32>
        %reduce_sum3A_80 = arith.constant true
        %reduce_sum3A_81 = vector.broadcast %reduce_sum3A_80 : i1 to vector<16xi1>
        %reduce_sum3A_82 = tpu.scan <sum>, %convert_element_type3A_79 masked %reduce_sum3A_81 : vector<16xi32>, vector<16xi1> -> vector<16xi32>
        %reduce_sum3A_83 = vector.extract %reduce_sum3A_82[15] : i32 from vector<16xi32>
        %ne3A_84 = arith.cmpi ne, %reduce_sum3A_64, %reduce_sum3A_83 : i32
        %convert_element_type3A_85 = arith.extui %and3A_78 : vector<16xi1> to vector<16xi32>
        %swap3A_86 = arith.constant 0 : index
        %swap3A_87 = tpu.vector_load %arg15[%swap3A_86] {strides = array<i32>} : memref<16xi32, #tpu.memory_space<vmem>>, vector<16xi32>,
        tpu.vector_store %arg15[%swap3A_86], %convert_element_type3A_85 {strides = array<i32>} : memref<16xi32, #tpu.memory_space<vmem>>, vector<16xi32>,
        %convert_element_type3A_88 = arith.extui %ne3A_84 : i1 to i32
        %cond3A_89 = arith.constant 0 : i32
        %cond3A_90 = arith.cmpi ne, %convert_element_type3A_88, %cond3A_89 : i32
        scf.if %cond3A_90 {
          %swap3A_108 = arith.constant 0 : index
          %swap3A_109 = tpu.vector_load %arg13[%swap3A_108] {strides = array<i32>} : memref<32xi32, #tpu.memory_space<vmem>>, vector<16xi32>,
          tpu.vector_store %arg13[%swap3A_108], %get3A_50 {strides = array<i32>} : memref<32xi32, #tpu.memory_space<vmem>>, vector<16xi32>,
          %broadcast_in_dim3A = arith.constant -1 : i32
          %broadcast_in_dim3A_110 = vector.broadcast %broadcast_in_dim3A : i32 to vector<16xi32>
          %swap3A_111 = arith.constant 16 : index
          %swap3A_112 = tpu.vector_load %arg13[%swap3A_111] {strides = array<i32>} : memref<32xi32, #tpu.memory_space<vmem>>, vector<16xi32>,
          tpu.vector_store %arg13[%swap3A_111], %broadcast_in_dim3A_110 {strides = array<i32>} : memref<32xi32, #tpu.memory_space<vmem>>, vector<16xi32>,
          %convert_element_type3A_113 = arith.extui %and3A_56 : vector<16xi1> to vector<16xi32>
          %swap3A_114 = arith.constant 0 : index
          %swap3A_115 = tpu.vector_load %arg14[%swap3A_114] {strides = array<i32>} : memref<32xi32, #tpu.memory_space<vmem>>, vector<16xi32>,
          tpu.vector_store %arg14[%swap3A_114], %convert_element_type3A_113 {strides = array<i32>} : memref<32xi32, #tpu.memory_space<vmem>>, vector<16xi32>,
          %broadcast_in_dim3A_116 = arith.constant 0 : i32
          %broadcast_in_dim3A_117 = vector.broadcast %broadcast_in_dim3A_116 : i32 to vector<16xi32>
          %swap3A_118 = arith.constant 16 : index
          %swap3A_119 = tpu.vector_load %arg14[%swap3A_118] {strides = array<i32>} : memref<32xi32, #tpu.memory_space<vmem>>, vector<16xi32>,
          tpu.vector_store %arg14[%swap3A_118], %broadcast_in_dim3A_117 {strides = array<i32>} : memref<32xi32, #tpu.memory_space<vmem>>, vector<16xi32>,
          %broadcast_in_dim3A_120 = arith.constant false
          %broadcast_in_dim3A_121 = vector.broadcast %broadcast_in_dim3A_120 : i1 to vector<16xi1>
          %get3A_122 = arith.constant 1 : index
          %get3A_123 = tpu.vector_load %arg13[%get3A_122] {strides = array<i32>} : memref<32xi32, #tpu.memory_space<vmem>>, vector<16xi32>,
          %get3A_124 = arith.constant 1 : index
          %get3A_125 = tpu.vector_load %arg14[%get3A_124] {strides = array<i32>} : memref<32xi32, #tpu.memory_space<vmem>>, vector<16xi32>,
          %ne3A_126 = arith.constant 0 : i32
          %ne3A_127 = vector.broadcast %ne3A_126 : i32 to vector<16xi32>
          %ne3A_128 = arith.cmpi ne, %get3A_125, %ne3A_127 : vector<16xi32>
          %eq3A_129 = arith.cmpi eq, %get3A_50, %get3A_123 : vector<16xi32>
          %and3A_130 = arith.andi %eq3A_129, %ne3A_128 : vector<16xi1>
          %or3A = arith.ori %broadcast_in_dim3A_121, %and3A_130 : vector<16xi1>
          %get3A_131 = arith.constant 2 : index
          %get3A_132 = tpu.vector_load %arg13[%get3A_131] {strides = array<i32>} : memref<32xi32, #tpu.memory_space<vmem>>, vector<16xi32>,
          %get3A_133 = arith.constant 2 : index
          %get3A_134 = tpu.vector_load %arg14[%get3A_133] {strides = array<i32>} : memref<32xi32, #tpu.memory_space<vmem>>, vector<16xi32>,
          %ne3A_135 = arith.constant 0 : i32
          %ne3A_136 = vector.broadcast %ne3A_135 : i32 to vector<16xi32>
          %ne3A_137 = arith.cmpi ne, %get3A_134, %ne3A_136 : vector<16xi32>
          %eq3A_138 = arith.cmpi eq, %get3A_50, %get3A_132 : vector<16xi32>
          %and3A_139 = arith.andi %eq3A_138, %ne3A_137 : vector<16xi1>
          %or3A_140 = arith.ori %or3A, %and3A_139 : vector<16xi1>
          %get3A_141 = arith.constant 3 : index
          %get3A_142 = tpu.vector_load %arg13[%get3A_141] {strides = array<i32>} : memref<32xi32, #tpu.memory_space<vmem>>, vector<16xi32>,
          %get3A_143 = arith.constant 3 : index
          %get3A_144 = tpu.vector_load %arg14[%get3A_143] {strides = array<i32>} : memref<32xi32, #tpu.memory_space<vmem>>, vector<16xi32>,
          %ne3A_145 = arith.constant 0 : i32
          %ne3A_146 = vector.broadcast %ne3A_145 : i32 to vector<16xi32>
          %ne3A_147 = arith.cmpi ne, %get3A_144, %ne3A_146 : vector<16xi32>
          %eq3A_148 = arith.cmpi eq, %get3A_50, %get3A_142 : vector<16xi32>
          %and3A_149 = arith.andi %eq3A_148, %ne3A_147 : vector<16xi1>
          %or3A_150 = arith.ori %or3A_140, %and3A_149 : vector<16xi1>
          %get3A_151 = arith.constant 4 : index
          %get3A_152 = tpu.vector_load %arg13[%get3A_151] {strides = array<i32>} : memref<32xi32, #tpu.memory_space<vmem>>, vector<16xi32>,
          %get3A_153 = arith.constant 4 : index
          %get3A_154 = tpu.vector_load %arg14[%get3A_153] {strides = array<i32>} : memref<32xi32, #tpu.memory_space<vmem>>, vector<16xi32>,
          %ne3A_155 = arith.constant 0 : i32
          %ne3A_156 = vector.broadcast %ne3A_155 : i32 to vector<16xi32>
          %ne3A_157 = arith.cmpi ne, %get3A_154, %ne3A_156 : vector<16xi32>
          %eq3A_158 = arith.cmpi eq, %get3A_50, %get3A_152 : vector<16xi32>
          %and3A_159 = arith.andi %eq3A_158, %ne3A_157 : vector<16xi1>
          %or3A_160 = arith.ori %or3A_150, %and3A_159 : vector<16xi1>
          %get3A_161 = arith.constant 5 : index
          %get3A_162 = tpu.vector_load %arg13[%get3A_161] {strides = array<i32>} : memref<32xi32, #tpu.memory_space<vmem>>, vector<16xi32>,
          %get3A_163 = arith.constant 5 : index
          %get3A_164 = tpu.vector_load %arg14[%get3A_163] {strides = array<i32>} : memref<32xi32, #tpu.memory_space<vmem>>, vector<16xi32>,
          %ne3A_165 = arith.constant 0 : i32
          %ne3A_166 = vector.broadcast %ne3A_165 : i32 to vector<16xi32>
          %ne3A_167 = arith.cmpi ne, %get3A_164, %ne3A_166 : vector<16xi32>
          %eq3A_168 = arith.cmpi eq, %get3A_50, %get3A_162 : vector<16xi32>
          %and3A_169 = arith.andi %eq3A_168, %ne3A_167 : vector<16xi1>
          %or3A_170 = arith.ori %or3A_160, %and3A_169 : vector<16xi1>
          %get3A_171 = arith.constant 6 : index
          %get3A_172 = tpu.vector_load %arg13[%get3A_171] {strides = array<i32>} : memref<32xi32, #tpu.memory_space<vmem>>, vector<16xi32>,
          %get3A_173 = arith.constant 6 : index
          %get3A_174 = tpu.vector_load %arg14[%get3A_173] {strides = array<i32>} : memref<32xi32, #tpu.memory_space<vmem>>, vector<16xi32>,
          %ne3A_175 = arith.constant 0 : i32
          %ne3A_176 = vector.broadcast %ne3A_175 : i32 to vector<16xi32>
          %ne3A_177 = arith.cmpi ne, %get3A_174, %ne3A_176 : vector<16xi32>
          %eq3A_178 = arith.cmpi eq, %get3A_50, %get3A_172 : vector<16xi32>
          %and3A_179 = arith.andi %eq3A_178, %ne3A_177 : vector<16xi1>
          %or3A_180 = arith.ori %or3A_170, %and3A_179 : vector<16xi1>
          %get3A_181 = arith.constant 7 : index
          %get3A_182 = tpu.vector_load %arg13[%get3A_181] {strides = array<i32>} : memref<32xi32, #tpu.memory_space<vmem>>, vector<16xi32>,
          %get3A_183 = arith.constant 7 : index
          %get3A_184 = tpu.vector_load %arg14[%get3A_183] {strides = array<i32>} : memref<32xi32, #tpu.memory_space<vmem>>, vector<16xi32>,
          %ne3A_185 = arith.constant 0 : i32
          %ne3A_186 = vector.broadcast %ne3A_185 : i32 to vector<16xi32>
          %ne3A_187 = arith.cmpi ne, %get3A_184, %ne3A_186 : vector<16xi32>
          %eq3A_188 = arith.cmpi eq, %get3A_50, %get3A_182 : vector<16xi32>
          %and3A_189 = arith.andi %eq3A_188, %ne3A_187 : vector<16xi1>
          %or3A_190 = arith.ori %or3A_180, %and3A_189 : vector<16xi1>
          %get3A_191 = arith.constant 8 : index
          %get3A_192 = tpu.vector_load %arg13[%get3A_191] {strides = array<i32>} : memref<32xi32, #tpu.memory_space<vmem>>, vector<16xi32>,
          %get3A_193 = arith.constant 8 : index
          %get3A_194 = tpu.vector_load %arg14[%get3A_193] {strides = array<i32>} : memref<32xi32, #tpu.memory_space<vmem>>, vector<16xi32>,
          %ne3A_195 = arith.constant 0 : i32
          %ne3A_196 = vector.broadcast %ne3A_195 : i32 to vector<16xi32>
          %ne3A_197 = arith.cmpi ne, %get3A_194, %ne3A_196 : vector<16xi32>
          %eq3A_198 = arith.cmpi eq, %get3A_50, %get3A_192 : vector<16xi32>
          %and3A_199 = arith.andi %eq3A_198, %ne3A_197 : vector<16xi1>
          %or3A_200 = arith.ori %or3A_190, %and3A_199 : vector<16xi1>
          %get3A_201 = arith.constant 9 : index
          %get3A_202 = tpu.vector_load %arg13[%get3A_201] {strides = array<i32>} : memref<32xi32, #tpu.memory_space<vmem>>, vector<16xi32>,
          %get3A_203 = arith.constant 9 : index
          %get3A_204 = tpu.vector_load %arg14[%get3A_203] {strides = array<i32>} : memref<32xi32, #tpu.memory_space<vmem>>, vector<16xi32>,
          %ne3A_205 = arith.constant 0 : i32
          %ne3A_206 = vector.broadcast %ne3A_205 : i32 to vector<16xi32>
          %ne3A_207 = arith.cmpi ne, %get3A_204, %ne3A_206 : vector<16xi32>
          %eq3A_208 = arith.cmpi eq, %get3A_50, %get3A_202 : vector<16xi32>
          %and3A_209 = arith.andi %eq3A_208, %ne3A_207 : vector<16xi1>
          %or3A_210 = arith.ori %or3A_200, %and3A_209 : vector<16xi1>
          %get3A_211 = arith.constant 10 : index
          %get3A_212 = tpu.vector_load %arg13[%get3A_211] {strides = array<i32>} : memref<32xi32, #tpu.memory_space<vmem>>, vector<16xi32>,
          %get3A_213 = arith.constant 10 : index
          %get3A_214 = tpu.vector_load %arg14[%get3A_213] {strides = array<i32>} : memref<32xi32, #tpu.memory_space<vmem>>, vector<16xi32>,
          %ne3A_215 = arith.constant 0 : i32
          %ne3A_216 = vector.broadcast %ne3A_215 : i32 to vector<16xi32>
          %ne3A_217 = arith.cmpi ne, %get3A_214, %ne3A_216 : vector<16xi32>
          %eq3A_218 = arith.cmpi eq, %get3A_50, %get3A_212 : vector<16xi32>
          %and3A_219 = arith.andi %eq3A_218, %ne3A_217 : vector<16xi1>
          %or3A_220 = arith.ori %or3A_210, %and3A_219 : vector<16xi1>
          %get3A_221 = arith.constant 11 : index
          %get3A_222 = tpu.vector_load %arg13[%get3A_221] {strides = array<i32>} : memref<32xi32, #tpu.memory_space<vmem>>, vector<16xi32>,
          %get3A_223 = arith.constant 11 : index
          %get3A_224 = tpu.vector_load %arg14[%get3A_223] {strides = array<i32>} : memref<32xi32, #tpu.memory_space<vmem>>, vector<16xi32>,
          %ne3A_225 = arith.constant 0 : i32
          %ne3A_226 = vector.broadcast %ne3A_225 : i32 to vector<16xi32>
          %ne3A_227 = arith.cmpi ne, %get3A_224, %ne3A_226 : vector<16xi32>
          %eq3A_228 = arith.cmpi eq, %get3A_50, %get3A_222 : vector<16xi32>
          %and3A_229 = arith.andi %eq3A_228, %ne3A_227 : vector<16xi1>
          %or3A_230 = arith.ori %or3A_220, %and3A_229 : vector<16xi1>
          %get3A_231 = arith.constant 12 : index
          %get3A_232 = tpu.vector_load %arg13[%get3A_231] {strides = array<i32>} : memref<32xi32, #tpu.memory_space<vmem>>, vector<16xi32>,
          %get3A_233 = arith.constant 12 : index
          %get3A_234 = tpu.vector_load %arg14[%get3A_233] {strides = array<i32>} : memref<32xi32, #tpu.memory_space<vmem>>, vector<16xi32>,
          %ne3A_235 = arith.constant 0 : i32
          %ne3A_236 = vector.broadcast %ne3A_235 : i32 to vector<16xi32>
          %ne3A_237 = arith.cmpi ne, %get3A_234, %ne3A_236 : vector<16xi32>
          %eq3A_238 = arith.cmpi eq, %get3A_50, %get3A_232 : vector<16xi32>
          %and3A_239 = arith.andi %eq3A_238, %ne3A_237 : vector<16xi1>
          %or3A_240 = arith.ori %or3A_230, %and3A_239 : vector<16xi1>
          %get3A_241 = arith.constant 13 : index
          %get3A_242 = tpu.vector_load %arg13[%get3A_241] {strides = array<i32>} : memref<32xi32, #tpu.memory_space<vmem>>, vector<16xi32>,
          %get3A_243 = arith.constant 13 : index
          %get3A_244 = tpu.vector_load %arg14[%get3A_243] {strides = array<i32>} : memref<32xi32, #tpu.memory_space<vmem>>, vector<16xi32>,
          %ne3A_245 = arith.constant 0 : i32
          %ne3A_246 = vector.broadcast %ne3A_245 : i32 to vector<16xi32>
          %ne3A_247 = arith.cmpi ne, %get3A_244, %ne3A_246 : vector<16xi32>
          %eq3A_248 = arith.cmpi eq, %get3A_50, %get3A_242 : vector<16xi32>
          %and3A_249 = arith.andi %eq3A_248, %ne3A_247 : vector<16xi1>
          %or3A_250 = arith.ori %or3A_240, %and3A_249 : vector<16xi1>
          %get3A_251 = arith.constant 14 : index
          %get3A_252 = tpu.vector_load %arg13[%get3A_251] {strides = array<i32>} : memref<32xi32, #tpu.memory_space<vmem>>, vector<16xi32>,
          %get3A_253 = arith.constant 14 : index
          %get3A_254 = tpu.vector_load %arg14[%get3A_253] {strides = array<i32>} : memref<32xi32, #tpu.memory_space<vmem>>, vector<16xi32>,
          %ne3A_255 = arith.constant 0 : i32
          %ne3A_256 = vector.broadcast %ne3A_255 : i32 to vector<16xi32>
          %ne3A_257 = arith.cmpi ne, %get3A_254, %ne3A_256 : vector<16xi32>
          %eq3A_258 = arith.cmpi eq, %get3A_50, %get3A_252 : vector<16xi32>
          %and3A_259 = arith.andi %eq3A_258, %ne3A_257 : vector<16xi1>
          %or3A_260 = arith.ori %or3A_250, %and3A_259 : vector<16xi1>
          %get3A_261 = arith.constant 15 : index
          %get3A_262 = tpu.vector_load %arg13[%get3A_261] {strides = array<i32>} : memref<32xi32, #tpu.memory_space<vmem>>, vector<16xi32>,
          %get3A_263 = arith.constant 15 : index
          %get3A_264 = tpu.vector_load %arg14[%get3A_263] {strides = array<i32>} : memref<32xi32, #tpu.memory_space<vmem>>, vector<16xi32>,
          %ne3A_265 = arith.constant 0 : i32
          %ne3A_266 = vector.broadcast %ne3A_265 : i32 to vector<16xi32>
          %ne3A_267 = arith.cmpi ne, %get3A_264, %ne3A_266 : vector<16xi32>
          %eq3A_268 = arith.cmpi eq, %get3A_50, %get3A_262 : vector<16xi32>
          %and3A_269 = arith.andi %eq3A_268, %ne3A_267 : vector<16xi1>
          %or3A_270 = arith.ori %or3A_260, %and3A_269 : vector<16xi1>
          %not3A = arith.constant dense<true> : vector<16xi1>
          %not3A_271 = arith.xori %or3A_270, %not3A : vector<16xi1>
          %and3A_272 = arith.andi %and3A_56, %not3A_271 : vector<16xi1>
          tpu.vector_store_idx %arg7[%sub3A_52], %add3A_60 masked %and3A_272 : memref<31272xi32, #tpu.memory_space<vmem>>[vector<16xi32>], vector<16xi32>, vector<16xi1>
          %convert_element_type3A_273 = arith.extui %and3A_272 : vector<16xi1> to vector<16xi32>
          %swap3A_274 = arith.constant 0 : index
          %swap3A_275 = tpu.vector_load %arg15[%swap3A_274] {strides = array<i32>} : memref<16xi32, #tpu.memory_space<vmem>>, vector<16xi32>,
          tpu.vector_store %arg15[%swap3A_274], %convert_element_type3A_273 {strides = array<i32>} : memref<16xi32, #tpu.memory_space<vmem>>, vector<16xi32>,
        } else {
        }
        %get3A_91 = arith.constant 0 : index
        %get3A_92 = tpu.vector_load %arg15[%get3A_91] {strides = array<i32>} : memref<16xi32, #tpu.memory_space<vmem>>, vector<16xi32>,
        %ne3A_93 = arith.constant 0 : i32
        %ne3A_94 = vector.broadcast %ne3A_93 : i32 to vector<16xi32>
        %ne3A_95 = arith.cmpi ne, %get3A_92, %ne3A_94 : vector<16xi32>
        %swap3A_96 = arith.index_cast %scan3A_47 : i32 to index
        %swap3A_97 = tpu.vector_load %arg8[%swap3A_96] masked %ne3A_95 {strides = array<i32>} : memref<16400xi32, #tpu.memory_space<vmem>>, vector<16xi32>, vector<16xi1>
        tpu.vector_store %arg8[%swap3A_96], %sub3A_52 masked %ne3A_95 {strides = array<i32>} : memref<16400xi32, #tpu.memory_space<vmem>>, vector<16xi32>, vector<16xi1>
        %swap3A_98 = arith.index_cast %scan3A_47 : i32 to index
        %swap3A_99 = tpu.vector_load %arg9[%swap3A_98] masked %ne3A_95 {strides = array<i32>} : memref<16400xi32, #tpu.memory_space<vmem>>, vector<16xi32>, vector<16xi1>
        tpu.vector_store %arg9[%swap3A_98], %add3A_60 masked %ne3A_95 {strides = array<i32>} : memref<16400xi32, #tpu.memory_space<vmem>>, vector<16xi32>, vector<16xi1>
        %convert_element_type3A_100 = arith.extui %ne3A_95 : vector<16xi1> to vector<16xi32>
        %reduce_sum3A_101 = arith.constant true
        %reduce_sum3A_102 = vector.broadcast %reduce_sum3A_101 : i1 to vector<16xi1>
        %reduce_sum3A_103 = tpu.scan <sum>, %convert_element_type3A_100 masked %reduce_sum3A_102 : vector<16xi32>, vector<16xi1> -> vector<16xi32>
        %reduce_sum3A_104 = vector.extract %reduce_sum3A_103[15] : i32 from vector<16xi32>
        %swap3A_105 = arith.constant 0 : i32
        %swap3A_106 = arith.index_cast %swap3A_105 : i32 to index
        %swap3A_107 = memref.load %arg16[%swap3A_106] : memref<1xi32, #tpu.memory_space<smem>>
        memref.store %reduce_sum3A_104, %arg16[%swap3A_106] : memref<1xi32, #tpu.memory_space<smem>>
      } else {
      }
      %get3A_73 = arith.constant 0 : i32
      %get3A_74 = arith.index_cast %get3A_73 : i32 to index
      %get3A_75 = memref.load %arg16[%get3A_74] : memref<1xi32, #tpu.memory_space<smem>>
      %add3A_76 = arith.addi %scan3A_47, %get3A_75 : i32
      scf.yield %add3A_76 : i32
    }
    %scan3A_10 = arith.constant 1024 : i32
    %add3A_11 = arith.constant 16 : i32
    %add3A_12 = arith.addi %scan3A_9, %add3A_11 : i32
    %sub3A = arith.constant 1 : i32
    %sub3A_13 = arith.subi %add3A_12, %sub3A : i32
    %jit3A_14 = arith.constant 16 : i32
    %div3A = arith.divsi %sub3A_13, %jit3A_14 : i32
    %sign3A = arith.constant 0 : i32
    %sign3A_15 = arith.cmpi sgt, %sub3A_13, %sign3A : i32
    %sign3A_16 = arith.extui %sign3A_15 : i1 to i32
    %sign3A_17 = arith.constant 0 : i32
    %sign3A_18 = arith.cmpi slt, %sub3A_13, %sign3A_17 : i32
    %sign3A_19 = arith.extui %sign3A_18 : i1 to i32
    %sign3A_20 = arith.subi %sign3A_16, %sign3A_19 : i32
    %sign3A_21 = arith.constant 0 : i32
    %sign3A_22 = arith.cmpi sgt, %jit3A_14, %sign3A_21 : i32
    %sign3A_23 = arith.extui %sign3A_22 : i1 to i32
    %sign3A_24 = arith.constant 0 : i32
    %sign3A_25 = arith.cmpi slt, %jit3A_14, %sign3A_24 : i32
    %sign3A_26 = arith.extui %sign3A_25 : i1 to i32
    %sign3A_27 = arith.subi %sign3A_23, %sign3A_26 : i32
    %ne3A = arith.cmpi ne, %sign3A_20, %sign3A_27 : i32
    %rem3A = arith.remsi %sub3A_13, %jit3A_14 : i32
    %ne3A_28 = arith.constant 0 : i32
    %ne3A_29 = arith.cmpi ne, %rem3A, %ne3A_28 : i32
    %and3A = arith.andi %ne3A, %ne3A_29 : i1
    %sub3A_30 = arith.constant 1 : i32
    %sub3A_31 = arith.subi %div3A, %sub3A_30 : i32
    %select_n3A_32 = arith.select %and3A, %sub3A_31, %div3A : i32
    %while3A = arith.constant 0 : i32
    %while3A_33 = arith.constant 0 : i32
    %while3A_34 = arith.subi %select_n3A_32, %while3A : i32
    %while3A_35 = arith.addi %while3A, %while3A_34 : i32
    %while3A_36 = arith.constant 1 : i32
    %while3A_37 = arith.divsi %while3A_34, %while3A_36 : i32
    %while3A_38 = arith.muli %while3A_37, %while3A_36 : i32
    %while3A_39 = arith.addi %while3A, %while3A_38 : i32
    %while3A_40 = arith.constant 1 : i32
    %while3A_41 = scf.for %while3A_46 = %while3A to %while3A_39 step %while3A_40 iter_args(%while3A_47 = %while3A_33) -> (i32)  : i32 {
      %mul3A_48 = arith.constant 16 : i32
      %mul3A_49 = arith.muli %while3A_46, %mul3A_48 : i32
      %get3A = arith.index_cast %mul3A_49 : i32 to index
      %get3A_50 = tpu.vector_load %arg8[%get3A] {strides = array<i32>} : memref<16400xi32, #tpu.memory_space<vmem>>, vector<16xi32>,
      %mul3A_51 = arith.constant 16 : i32
      %mul3A_52 = arith.muli %while3A_46, %mul3A_51 : i32
      %get3A_53 = arith.index_cast %mul3A_52 : i32 to index
      %get3A_54 = tpu.vector_load %arg9[%get3A_53] {strides = array<i32>} : memref<16400xi32, #tpu.memory_space<vmem>>, vector<16xi32>,
      %mul3A_55 = arith.constant 16 : i32
      %mul3A_56 = arith.muli %while3A_46, %mul3A_55 : i32
      %add3A_57 = vector.broadcast %mul3A_56 : i32 to vector<16xi32>
      %add3A_58 = arith.addi %add3A_57, %iota3A : vector<16xi32>
      %lt3A = vector.broadcast %scan3A_9 : i32 to vector<16xi32>
      %lt3A_59 = arith.cmpi slt, %add3A_58, %lt3A : vector<16xi32>
      %gather3A = tpu.vector_load_idx %arg7[%get3A_50] masked %lt3A_59 : memref<31272xi32, #tpu.memory_space<vmem>>[vector<16xi32>], vector<16xi32>, vector<16xi1>
      %eq3A_60 = arith.cmpi eq, %gather3A, %get3A_54 : vector<16xi32>
      %and3A_61 = arith.andi %lt3A_59, %eq3A_60 : vector<16xi1>
      %swap3A = arith.index_cast %while3A_47 : i32 to index
      %swap3A_62 = tpu.vector_load %arg8[%swap3A] masked %and3A_61 {strides = array<i32>} : memref<16400xi32, #tpu.memory_space<vmem>>, vector<16xi32>, vector<16xi1>
      tpu.vector_store %arg8[%swap3A], %get3A_50 masked %and3A_61 {strides = array<i32>} : memref<16400xi32, #tpu.memory_space<vmem>>, vector<16xi32>, vector<16xi1>
      %swap3A_63 = arith.index_cast %while3A_47 : i32 to index
      %swap3A_64 = tpu.vector_load %arg9[%swap3A_63] masked %and3A_61 {strides = array<i32>} : memref<16400xi32, #tpu.memory_space<vmem>>, vector<16xi32>, vector<16xi1>
      tpu.vector_store %arg9[%swap3A_63], %get3A_54 masked %and3A_61 {strides = array<i32>} : memref<16400xi32, #tpu.memory_space<vmem>>, vector<16xi32>, vector<16xi1>
      %convert_element_type3A_65 = arith.extui %and3A_61 : vector<16xi1> to vector<16xi32>
      %reduce_sum3A = arith.constant true
      %reduce_sum3A_66 = vector.broadcast %reduce_sum3A : i1 to vector<16xi1>
      %reduce_sum3A_67 = tpu.scan <sum>, %convert_element_type3A_65 masked %reduce_sum3A_66 : vector<16xi32>, vector<16xi1> -> vector<16xi32>
      %reduce_sum3A_68 = vector.extract %reduce_sum3A_67[15] : i32 from vector<16xi32>
      %add3A_69 = arith.addi %while3A_47, %reduce_sum3A_68 : i32
      scf.yield %add3A_69 : i32
    }
    %while3A_42 = arith.constant 1 : i32
    %while3A_43 = scf.for %while3A_46 = %while3A_39 to %while3A_35 step %while3A_42 iter_args(%while3A_47 = %while3A_41) -> (i32)  : i32 {
      %mul3A_48 = arith.constant 16 : i32
      %mul3A_49 = arith.muli %while3A_46, %mul3A_48 : i32
      %get3A = arith.index_cast %mul3A_49 : i32 to index
      %get3A_50 = tpu.vector_load %arg8[%get3A] {strides = array<i32>} : memref<16400xi32, #tpu.memory_space<vmem>>, vector<16xi32>,
      %mul3A_51 = arith.constant 16 : i32
      %mul3A_52 = arith.muli %while3A_46, %mul3A_51 : i32
      %get3A_53 = arith.index_cast %mul3A_52 : i32 to index
      %get3A_54 = tpu.vector_load %arg9[%get3A_53] {strides = array<i32>} : memref<16400xi32, #tpu.memory_space<vmem>>, vector<16xi32>,
      %mul3A_55 = arith.constant 16 : i32
      %mul3A_56 = arith.muli %while3A_46, %mul3A_55 : i32
      %add3A_57 = vector.broadcast %mul3A_56 : i32 to vector<16xi32>
      %add3A_58 = arith.addi %add3A_57, %iota3A : vector<16xi32>
      %lt3A = vector.broadcast %scan3A_9 : i32 to vector<16xi32>
      %lt3A_59 = arith.cmpi slt, %add3A_58, %lt3A : vector<16xi32>
      %gather3A = tpu.vector_load_idx %arg7[%get3A_50] masked %lt3A_59 : memref<31272xi32, #tpu.memory_space<vmem>>[vector<16xi32>], vector<16xi32>, vector<16xi1>
      %eq3A_60 = arith.cmpi eq, %gather3A, %get3A_54 : vector<16xi32>
      %and3A_61 = arith.andi %lt3A_59, %eq3A_60 : vector<16xi1>
      %swap3A = arith.index_cast %while3A_47 : i32 to index
      %swap3A_62 = tpu.vector_load %arg8[%swap3A] masked %and3A_61 {strides = array<i32>} : memref<16400xi32, #tpu.memory_space<vmem>>, vector<16xi32>, vector<16xi1>
      tpu.vector_store %arg8[%swap3A], %get3A_50 masked %and3A_61 {strides = array<i32>} : memref<16400xi32, #tpu.memory_space<vmem>>, vector<16xi32>, vector<16xi1>
      %swap3A_63 = arith.index_cast %while3A_47 : i32 to index
      %swap3A_64 = tpu.vector_load %arg9[%swap3A_63] masked %and3A_61 {strides = array<i32>} : memref<16400xi32, #tpu.memory_space<vmem>>, vector<16xi32>, vector<16xi1>
      tpu.vector_store %arg9[%swap3A_63], %get3A_54 masked %and3A_61 {strides = array<i32>} : memref<16400xi32, #tpu.memory_space<vmem>>, vector<16xi32>, vector<16xi1>
      %convert_element_type3A_65 = arith.extui %and3A_61 : vector<16xi1> to vector<16xi32>
      %reduce_sum3A = arith.constant true
      %reduce_sum3A_66 = vector.broadcast %reduce_sum3A : i1 to vector<16xi1>
      %reduce_sum3A_67 = tpu.scan <sum>, %convert_element_type3A_65 masked %reduce_sum3A_66 : vector<16xi32>, vector<16xi1> -> vector<16xi32>
      %reduce_sum3A_68 = vector.extract %reduce_sum3A_67[15] : i32 from vector<16xi32>
      %add3A_69 = arith.addi %while3A_47, %reduce_sum3A_68 : i32
      scf.yield %add3A_69 : i32
    }
    %gt3A = arith.constant 0 : i32
    %gt3A_44 = arith.cmpi sgt, %while3A_43, %gt3A : i32
    %convert_element_type3A = arith.extui %gt3A_44 : i1 to i32
    %cond3A = arith.constant 0 : i32
    %cond3A_45 = arith.cmpi ne, %convert_element_type3A, %cond3A : i32
    scf.if %cond3A_45 {
      %broadcast_in_dim3A = arith.constant 0 : i32
      %broadcast_in_dim3A_46 = vector.broadcast %broadcast_in_dim3A : i32 to vector<16xi32>
      %gather3A = tpu.vector_load_idx %arg8[%broadcast_in_dim3A_46] : memref<16400xi32, #tpu.memory_space<vmem>>[vector<16xi32>], vector<16xi32>,
      %gather3A_47 = tpu.vector_load_idx %arg9[%broadcast_in_dim3A_46] : memref<16400xi32, #tpu.memory_space<vmem>>[vector<16xi32>], vector<16xi32>,
      %jit3A_48 = arith.constant 16 : i32
      %eq3A_49 = arith.constant 0 : i32
      %eq3A_50 = arith.cmpi eq, %jit3A_48, %eq3A_49 : i32
      %jit3A_51 = arith.constant 1 : i32
      %select_n3A_52 = arith.select %eq3A_50, %jit3A_51, %jit3A_48 : i32
      %rem3A_53 = arith.remsi %while3A_43, %select_n3A_52 : i32
      %ne3A_54 = arith.constant 0 : i32
      %ne3A_55 = arith.cmpi ne, %rem3A_53, %ne3A_54 : i32
      %lt3A = arith.constant 0 : i32
      %lt3A_56 = arith.cmpi slt, %rem3A_53, %lt3A : i32
      %lt3A_57 = arith.constant 0 : i32
      %lt3A_58 = arith.cmpi slt, %select_n3A_52, %lt3A_57 : i32
      %ne3A_59 = arith.xori %lt3A_56, %lt3A_58 : i1
      %and3A_60 = arith.andi %ne3A_59, %ne3A_55 : i1
      %add3A_61 = arith.addi %rem3A_53, %select_n3A_52 : i32
      %select_n3A_62 = arith.select %and3A_60, %add3A_61, %rem3A_53 : i32
      %ne3A_63 = arith.constant 0 : i32
      %ne3A_64 = arith.cmpi ne, %select_n3A_62, %ne3A_63 : i32
      %convert_element_type3A_65 = arith.extui %ne3A_64 : i1 to i32
      %cond3A_66 = arith.constant 0 : i32
      %cond3A_67 = arith.cmpi ne, %convert_element_type3A_65, %cond3A_66 : i32
      scf.if %cond3A_67 {
        %jit3A_108 = arith.constant 16 : i32
        %div3A_109 = arith.divsi %while3A_43, %jit3A_108 : i32
        %sign3A_110 = arith.constant 0 : i32
        %sign3A_111 = arith.cmpi sgt, %while3A_43, %sign3A_110 : i32
        %sign3A_112 = arith.extui %sign3A_111 : i1 to i32
        %sign3A_113 = arith.constant 0 : i32
        %sign3A_114 = arith.cmpi slt, %while3A_43, %sign3A_113 : i32
        %sign3A_115 = arith.extui %sign3A_114 : i1 to i32
        %sign3A_116 = arith.subi %sign3A_112, %sign3A_115 : i32
        %sign3A_117 = arith.constant 0 : i32
        %sign3A_118 = arith.cmpi sgt, %jit3A_108, %sign3A_117 : i32
        %sign3A_119 = arith.extui %sign3A_118 : i1 to i32
        %sign3A_120 = arith.constant 0 : i32
        %sign3A_121 = arith.cmpi slt, %jit3A_108, %sign3A_120 : i32
        %sign3A_122 = arith.extui %sign3A_121 : i1 to i32
        %sign3A_123 = arith.subi %sign3A_119, %sign3A_122 : i32
        %ne3A_124 = arith.cmpi ne, %sign3A_116, %sign3A_123 : i32
        %rem3A_125 = arith.remsi %while3A_43, %jit3A_108 : i32
        %ne3A_126 = arith.constant 0 : i32
        %ne3A_127 = arith.cmpi ne, %rem3A_125, %ne3A_126 : i32
        %and3A_128 = arith.andi %ne3A_124, %ne3A_127 : i1
        %sub3A_129 = arith.constant 1 : i32
        %sub3A_130 = arith.subi %div3A_109, %sub3A_129 : i32
        %select_n3A_131 = arith.select %and3A_128, %sub3A_130, %div3A_109 : i32
        %mul3A_132 = arith.constant 16 : i32
        %mul3A_133 = arith.muli %select_n3A_131, %mul3A_132 : i32
        %add3A_134 = vector.broadcast %mul3A_133 : i32 to vector<16xi32>
        %add3A_135 = arith.addi %add3A_134, %iota3A : vector<16xi32>
        %lt3A_136 = vector.broadcast %while3A_43 : i32 to vector<16xi32>
        %lt3A_137 = arith.cmpi slt, %add3A_135, %lt3A_136 : vector<16xi32>
        %get3A = arith.index_cast %mul3A_133 : i32 to index
        %get3A_138 = tpu.vector_load %arg8[%get3A] {strides = array<i32>} : memref<16400xi32, #tpu.memory_space<vmem>>, vector<16xi32>,
        %get3A_139 = arith.index_cast %mul3A_133 : i32 to index
        %get3A_140 = tpu.vector_load %arg9[%get3A_139] {strides = array<i32>} : memref<16400xi32, #tpu.memory_space<vmem>>, vector<16xi32>,
        %select_n3A_141 = arith.select %lt3A_137, %get3A_138, %gather3A : vector<16xi1>, vector<16xi32>
        %swap3A = arith.index_cast %mul3A_133 : i32 to index
        %swap3A_142 = tpu.vector_load %arg8[%swap3A] {strides = array<i32>} : memref<16400xi32, #tpu.memory_space<vmem>>, vector<16xi32>,
        tpu.vector_store %arg8[%swap3A], %select_n3A_141 {strides = array<i32>} : memref<16400xi32, #tpu.memory_space<vmem>>, vector<16xi32>,
        %select_n3A_143 = arith.select %lt3A_137, %get3A_140, %gather3A_47 : vector<16xi1>, vector<16xi32>
        %swap3A_144 = arith.index_cast %mul3A_133 : i32 to index
        %swap3A_145 = tpu.vector_load %arg9[%swap3A_144] {strides = array<i32>} : memref<16400xi32, #tpu.memory_space<vmem>>, vector<16xi32>,
        tpu.vector_store %arg9[%swap3A_144], %select_n3A_143 {strides = array<i32>} : memref<16400xi32, #tpu.memory_space<vmem>>, vector<16xi32>,
      } else {
      }
      %add3A_68 = arith.constant 8 : i32
      %add3A_69 = arith.addi %while3A_43, %add3A_68 : i32
      %sub3A_70 = arith.constant 1 : i32
      %sub3A_71 = arith.subi %add3A_69, %sub3A_70 : i32
      %jit3A_72 = arith.constant 8 : i32
      %div3A_73 = arith.divsi %sub3A_71, %jit3A_72 : i32
      %sign3A_74 = arith.constant 0 : i32
      %sign3A_75 = arith.cmpi sgt, %sub3A_71, %sign3A_74 : i32
      %sign3A_76 = arith.extui %sign3A_75 : i1 to i32
      %sign3A_77 = arith.constant 0 : i32
      %sign3A_78 = arith.cmpi slt, %sub3A_71, %sign3A_77 : i32
      %sign3A_79 = arith.extui %sign3A_78 : i1 to i32
      %sign3A_80 = arith.subi %sign3A_76, %sign3A_79 : i32
      %sign3A_81 = arith.constant 0 : i32
      %sign3A_82 = arith.cmpi sgt, %jit3A_72, %sign3A_81 : i32
      %sign3A_83 = arith.extui %sign3A_82 : i1 to i32
      %sign3A_84 = arith.constant 0 : i32
      %sign3A_85 = arith.cmpi slt, %jit3A_72, %sign3A_84 : i32
      %sign3A_86 = arith.extui %sign3A_85 : i1 to i32
      %sign3A_87 = arith.subi %sign3A_83, %sign3A_86 : i32
      %ne3A_88 = arith.cmpi ne, %sign3A_80, %sign3A_87 : i32
      %rem3A_89 = arith.remsi %sub3A_71, %jit3A_72 : i32
      %ne3A_90 = arith.constant 0 : i32
      %ne3A_91 = arith.cmpi ne, %rem3A_89, %ne3A_90 : i32
      %and3A_92 = arith.andi %ne3A_88, %ne3A_91 : i1
      %sub3A_93 = arith.constant 1 : i32
      %sub3A_94 = arith.subi %div3A_73, %sub3A_93 : i32
      %select_n3A_95 = arith.select %and3A_92, %sub3A_94, %div3A_73 : i32
      %while3A_96 = arith.constant 0 : i32
      %while3A_97 = arith.constant 0 : i32
      %while3A_98 = arith.subi %select_n3A_95, %while3A_96 : i32
      %while3A_99 = arith.addi %while3A_96, %while3A_98 : i32
      %while3A_100 = arith.constant 1 : i32
      %while3A_101 = arith.divsi %while3A_98, %while3A_100 : i32
      %while3A_102 = arith.muli %while3A_101, %while3A_100 : i32
      %while3A_103 = arith.addi %while3A_96, %while3A_102 : i32
      %while3A_104 = arith.constant 1 : i32
      %while3A_105 = scf.for %while3A_108 = %while3A_96 to %while3A_103 step %while3A_104 iter_args(%while3A_109 = %while3A_97) -> (i32)  : i32 {
        %mul3A_110 = arith.constant 8 : i32
        %mul3A_111 = arith.muli %while3A_108, %mul3A_110 : i32
        %add3A_112 = arith.constant 0 : i32
        %add3A_113 = arith.addi %mul3A_111, %add3A_112 : i32
        %broadcast_in_dim3A_114 = vector.broadcast %add3A_113 : i32 to vector<16xi32>
        %gather3A_115 = tpu.vector_load_idx %arg8[%broadcast_in_dim3A_114] : memref<16400xi32, #tpu.memory_space<vmem>>[vector<16xi32>], vector<16xi32>,
        %gather3A_116 = tpu.vector_load_idx %arg9[%broadcast_in_dim3A_114] : memref<16400xi32, #tpu.memory_space<vmem>>[vector<16xi32>], vector<16xi32>,
        %add3A_117 = vector.broadcast %multiple_of3A : i32 to vector<16xi32>
        %add3A_118 = arith.addi %gather3A_115, %add3A_117 : vector<16xi32>
        %mul3A_119 = arith.constant 16 : i32
        %mul3A_120 = vector.broadcast %mul3A_119 : i32 to vector<16xi32>
        %mul3A_121 = arith.muli %add3A_118, %mul3A_120 : vector<16xi32>
        %add3A_122 = arith.addi %mul3A_121, %iota3A : vector<16xi32>
        %swap3A = arith.constant 0 : i32
        %swap3A_123 = arith.constant 0 : i32
        %swap3A_124 = tpu.memref_slice %arg10[%swap3A, %swap3A_123] : memref<1x128xi32, #tpu.memory_space<vmem>> -> memref<1x128xi32, #tpu.memory_space<vmem>>
        %swap3A_125 = tpu.memref_squeeze %swap3A_124 : memref<1x128xi32, #tpu.memory_space<vmem>> -> memref<128xi32, #tpu.memory_space<vmem>>
        %swap3A_126 = arith.constant 0 : index
        %swap3A_127 = tpu.vector_load %swap3A_125[%swap3A_126] {strides = array<i32>} : memref<128xi32, #tpu.memory_space<vmem>>, vector<16xi32>,
        tpu.vector_store %swap3A_125[%swap3A_126], %add3A_122 {strides = array<i32>} : memref<128xi32, #tpu.memory_space<vmem>>, vector<16xi32>,
        %mul3A_128 = arith.constant 16 : i32
        %mul3A_129 = vector.broadcast %mul3A_128 : i32 to vector<16xi32>
        %mul3A_130 = arith.muli %gather3A_116, %mul3A_129 : vector<16xi32>
        %add3A_131 = arith.addi %mul3A_130, %iota3A : vector<16xi32>
        %swap3A_132 = arith.constant 0 : i32
        %swap3A_133 = arith.constant 0 : i32
        %swap3A_134 = tpu.memref_slice %arg11[%swap3A_132, %swap3A_133] : memref<1x128xi32, #tpu.memory_space<vmem>> -> memref<1x128xi32, #tpu.memory_space<vmem>>
        %swap3A_135 = tpu.memref_squeeze %swap3A_134 : memref<1x128xi32, #tpu.memory_space<vmem>> -> memref<128xi32, #tpu.memory_space<vmem>>
        %swap3A_136 = arith.constant 0 : index
        %swap3A_137 = tpu.vector_load %swap3A_135[%swap3A_136] {strides = array<i32>} : memref<128xi32, #tpu.memory_space<vmem>>, vector<16xi32>,
        tpu.vector_store %swap3A_135[%swap3A_136], %add3A_131 {strides = array<i32>} : memref<128xi32, #tpu.memory_space<vmem>>, vector<16xi32>,
        %mul3A_138 = arith.constant 8 : i32
        %mul3A_139 = arith.muli %while3A_108, %mul3A_138 : i32
        %add3A_140 = arith.constant 1 : i32
        %add3A_141 = arith.addi %mul3A_139, %add3A_140 : i32
        %broadcast_in_dim3A_142 = vector.broadcast %add3A_141 : i32 to vector<16xi32>
        %gather3A_143 = tpu.vector_load_idx %arg8[%broadcast_in_dim3A_142] : memref<16400xi32, #tpu.memory_space<vmem>>[vector<16xi32>], vector<16xi32>,
        %gather3A_144 = tpu.vector_load_idx %arg9[%broadcast_in_dim3A_142] : memref<16400xi32, #tpu.memory_space<vmem>>[vector<16xi32>], vector<16xi32>,
        %add3A_145 = vector.broadcast %multiple_of3A : i32 to vector<16xi32>
        %add3A_146 = arith.addi %gather3A_143, %add3A_145 : vector<16xi32>
        %mul3A_147 = arith.constant 16 : i32
        %mul3A_148 = vector.broadcast %mul3A_147 : i32 to vector<16xi32>
        %mul3A_149 = arith.muli %add3A_146, %mul3A_148 : vector<16xi32>
        %add3A_150 = arith.addi %mul3A_149, %iota3A : vector<16xi32>
        %swap3A_151 = arith.constant 0 : i32
        %swap3A_152 = arith.constant 0 : i32
        %swap3A_153 = tpu.memref_slice %arg10[%swap3A_151, %swap3A_152] : memref<1x128xi32, #tpu.memory_space<vmem>> -> memref<1x128xi32, #tpu.memory_space<vmem>>
        %swap3A_154 = tpu.memref_squeeze %swap3A_153 : memref<1x128xi32, #tpu.memory_space<vmem>> -> memref<128xi32, #tpu.memory_space<vmem>>
        %swap3A_155 = arith.constant 16 : index
        %swap3A_156 = tpu.vector_load %swap3A_154[%swap3A_155] {strides = array<i32>} : memref<128xi32, #tpu.memory_space<vmem>>, vector<16xi32>,
        tpu.vector_store %swap3A_154[%swap3A_155], %add3A_150 {strides = array<i32>} : memref<128xi32, #tpu.memory_space<vmem>>, vector<16xi32>,
        %mul3A_157 = arith.constant 16 : i32
        %mul3A_158 = vector.broadcast %mul3A_157 : i32 to vector<16xi32>
        %mul3A_159 = arith.muli %gather3A_144, %mul3A_158 : vector<16xi32>
        %add3A_160 = arith.addi %mul3A_159, %iota3A : vector<16xi32>
        %swap3A_161 = arith.constant 0 : i32
        %swap3A_162 = arith.constant 0 : i32
        %swap3A_163 = tpu.memref_slice %arg11[%swap3A_161, %swap3A_162] : memref<1x128xi32, #tpu.memory_space<vmem>> -> memref<1x128xi32, #tpu.memory_space<vmem>>
        %swap3A_164 = tpu.memref_squeeze %swap3A_163 : memref<1x128xi32, #tpu.memory_space<vmem>> -> memref<128xi32, #tpu.memory_space<vmem>>
        %swap3A_165 = arith.constant 16 : index
        %swap3A_166 = tpu.vector_load %swap3A_164[%swap3A_165] {strides = array<i32>} : memref<128xi32, #tpu.memory_space<vmem>>, vector<16xi32>,
        tpu.vector_store %swap3A_164[%swap3A_165], %add3A_160 {strides = array<i32>} : memref<128xi32, #tpu.memory_space<vmem>>, vector<16xi32>,
        %mul3A_167 = arith.constant 8 : i32
        %mul3A_168 = arith.muli %while3A_108, %mul3A_167 : i32
        %add3A_169 = arith.constant 2 : i32
        %add3A_170 = arith.addi %mul3A_168, %add3A_169 : i32
        %broadcast_in_dim3A_171 = vector.broadcast %add3A_170 : i32 to vector<16xi32>
        %gather3A_172 = tpu.vector_load_idx %arg8[%broadcast_in_dim3A_171] : memref<16400xi32, #tpu.memory_space<vmem>>[vector<16xi32>], vector<16xi32>,
        %gather3A_173 = tpu.vector_load_idx %arg9[%broadcast_in_dim3A_171] : memref<16400xi32, #tpu.memory_space<vmem>>[vector<16xi32>], vector<16xi32>,
        %add3A_174 = vector.broadcast %multiple_of3A : i32 to vector<16xi32>
        %add3A_175 = arith.addi %gather3A_172, %add3A_174 : vector<16xi32>
        %mul3A_176 = arith.constant 16 : i32
        %mul3A_177 = vector.broadcast %mul3A_176 : i32 to vector<16xi32>
        %mul3A_178 = arith.muli %add3A_175, %mul3A_177 : vector<16xi32>
        %add3A_179 = arith.addi %mul3A_178, %iota3A : vector<16xi32>
        %swap3A_180 = arith.constant 0 : i32
        %swap3A_181 = arith.constant 0 : i32
        %swap3A_182 = tpu.memref_slice %arg10[%swap3A_180, %swap3A_181] : memref<1x128xi32, #tpu.memory_space<vmem>> -> memref<1x128xi32, #tpu.memory_space<vmem>>
        %swap3A_183 = tpu.memref_squeeze %swap3A_182 : memref<1x128xi32, #tpu.memory_space<vmem>> -> memref<128xi32, #tpu.memory_space<vmem>>
        %swap3A_184 = arith.constant 32 : index
        %swap3A_185 = tpu.vector_load %swap3A_183[%swap3A_184] {strides = array<i32>} : memref<128xi32, #tpu.memory_space<vmem>>, vector<16xi32>,
        tpu.vector_store %swap3A_183[%swap3A_184], %add3A_179 {strides = array<i32>} : memref<128xi32, #tpu.memory_space<vmem>>, vector<16xi32>,
        %mul3A_186 = arith.constant 16 : i32
        %mul3A_187 = vector.broadcast %mul3A_186 : i32 to vector<16xi32>
        %mul3A_188 = arith.muli %gather3A_173, %mul3A_187 : vector<16xi32>
        %add3A_189 = arith.addi %mul3A_188, %iota3A : vector<16xi32>
        %swap3A_190 = arith.constant 0 : i32
        %swap3A_191 = arith.constant 0 : i32
        %swap3A_192 = tpu.memref_slice %arg11[%swap3A_190, %swap3A_191] : memref<1x128xi32, #tpu.memory_space<vmem>> -> memref<1x128xi32, #tpu.memory_space<vmem>>
        %swap3A_193 = tpu.memref_squeeze %swap3A_192 : memref<1x128xi32, #tpu.memory_space<vmem>> -> memref<128xi32, #tpu.memory_space<vmem>>
        %swap3A_194 = arith.constant 32 : index
        %swap3A_195 = tpu.vector_load %swap3A_193[%swap3A_194] {strides = array<i32>} : memref<128xi32, #tpu.memory_space<vmem>>, vector<16xi32>,
        tpu.vector_store %swap3A_193[%swap3A_194], %add3A_189 {strides = array<i32>} : memref<128xi32, #tpu.memory_space<vmem>>, vector<16xi32>,
        %mul3A_196 = arith.constant 8 : i32
        %mul3A_197 = arith.muli %while3A_108, %mul3A_196 : i32
        %add3A_198 = arith.constant 3 : i32
        %add3A_199 = arith.addi %mul3A_197, %add3A_198 : i32
        %broadcast_in_dim3A_200 = vector.broadcast %add3A_199 : i32 to vector<16xi32>
        %gather3A_201 = tpu.vector_load_idx %arg8[%broadcast_in_dim3A_200] : memref<16400xi32, #tpu.memory_space<vmem>>[vector<16xi32>], vector<16xi32>,
        %gather3A_202 = tpu.vector_load_idx %arg9[%broadcast_in_dim3A_200] : memref<16400xi32, #tpu.memory_space<vmem>>[vector<16xi32>], vector<16xi32>,
        %add3A_203 = vector.broadcast %multiple_of3A : i32 to vector<16xi32>
        %add3A_204 = arith.addi %gather3A_201, %add3A_203 : vector<16xi32>
        %mul3A_205 = arith.constant 16 : i32
        %mul3A_206 = vector.broadcast %mul3A_205 : i32 to vector<16xi32>
        %mul3A_207 = arith.muli %add3A_204, %mul3A_206 : vector<16xi32>
        %add3A_208 = arith.addi %mul3A_207, %iota3A : vector<16xi32>
        %swap3A_209 = arith.constant 0 : i32
        %swap3A_210 = arith.constant 0 : i32
        %swap3A_211 = tpu.memref_slice %arg10[%swap3A_209, %swap3A_210] : memref<1x128xi32, #tpu.memory_space<vmem>> -> memref<1x128xi32, #tpu.memory_space<vmem>>
        %swap3A_212 = tpu.memref_squeeze %swap3A_211 : memref<1x128xi32, #tpu.memory_space<vmem>> -> memref<128xi32, #tpu.memory_space<vmem>>
        %swap3A_213 = arith.constant 48 : index
        %swap3A_214 = tpu.vector_load %swap3A_212[%swap3A_213] {strides = array<i32>} : memref<128xi32, #tpu.memory_space<vmem>>, vector<16xi32>,
        tpu.vector_store %swap3A_212[%swap3A_213], %add3A_208 {strides = array<i32>} : memref<128xi32, #tpu.memory_space<vmem>>, vector<16xi32>,
        %mul3A_215 = arith.constant 16 : i32
        %mul3A_216 = vector.broadcast %mul3A_215 : i32 to vector<16xi32>
        %mul3A_217 = arith.muli %gather3A_202, %mul3A_216 : vector<16xi32>
        %add3A_218 = arith.addi %mul3A_217, %iota3A : vector<16xi32>
        %swap3A_219 = arith.constant 0 : i32
        %swap3A_220 = arith.constant 0 : i32
        %swap3A_221 = tpu.memref_slice %arg11[%swap3A_219, %swap3A_220] : memref<1x128xi32, #tpu.memory_space<vmem>> -> memref<1x128xi32, #tpu.memory_space<vmem>>
        %swap3A_222 = tpu.memref_squeeze %swap3A_221 : memref<1x128xi32, #tpu.memory_space<vmem>> -> memref<128xi32, #tpu.memory_space<vmem>>
        %swap3A_223 = arith.constant 48 : index
        %swap3A_224 = tpu.vector_load %swap3A_222[%swap3A_223] {strides = array<i32>} : memref<128xi32, #tpu.memory_space<vmem>>, vector<16xi32>,
        tpu.vector_store %swap3A_222[%swap3A_223], %add3A_218 {strides = array<i32>} : memref<128xi32, #tpu.memory_space<vmem>>, vector<16xi32>,
        %mul3A_225 = arith.constant 8 : i32
        %mul3A_226 = arith.muli %while3A_108, %mul3A_225 : i32
        %add3A_227 = arith.constant 4 : i32
        %add3A_228 = arith.addi %mul3A_226, %add3A_227 : i32
        %broadcast_in_dim3A_229 = vector.broadcast %add3A_228 : i32 to vector<16xi32>
        %gather3A_230 = tpu.vector_load_idx %arg8[%broadcast_in_dim3A_229] : memref<16400xi32, #tpu.memory_space<vmem>>[vector<16xi32>], vector<16xi32>,
        %gather3A_231 = tpu.vector_load_idx %arg9[%broadcast_in_dim3A_229] : memref<16400xi32, #tpu.memory_space<vmem>>[vector<16xi32>], vector<16xi32>,
        %add3A_232 = vector.broadcast %multiple_of3A : i32 to vector<16xi32>
        %add3A_233 = arith.addi %gather3A_230, %add3A_232 : vector<16xi32>
        %mul3A_234 = arith.constant 16 : i32
        %mul3A_235 = vector.broadcast %mul3A_234 : i32 to vector<16xi32>
        %mul3A_236 = arith.muli %add3A_233, %mul3A_235 : vector<16xi32>
        %add3A_237 = arith.addi %mul3A_236, %iota3A : vector<16xi32>
        %swap3A_238 = arith.constant 0 : i32
        %swap3A_239 = arith.constant 0 : i32
        %swap3A_240 = tpu.memref_slice %arg10[%swap3A_238, %swap3A_239] : memref<1x128xi32, #tpu.memory_space<vmem>> -> memref<1x128xi32, #tpu.memory_space<vmem>>
        %swap3A_241 = tpu.memref_squeeze %swap3A_240 : memref<1x128xi32, #tpu.memory_space<vmem>> -> memref<128xi32, #tpu.memory_space<vmem>>
        %swap3A_242 = arith.constant 64 : index
        %swap3A_243 = tpu.vector_load %swap3A_241[%swap3A_242] {strides = array<i32>} : memref<128xi32, #tpu.memory_space<vmem>>, vector<16xi32>,
        tpu.vector_store %swap3A_241[%swap3A_242], %add3A_237 {strides = array<i32>} : memref<128xi32, #tpu.memory_space<vmem>>, vector<16xi32>,
        %mul3A_244 = arith.constant 16 : i32
        %mul3A_245 = vector.broadcast %mul3A_244 : i32 to vector<16xi32>
        %mul3A_246 = arith.muli %gather3A_231, %mul3A_245 : vector<16xi32>
        %add3A_247 = arith.addi %mul3A_246, %iota3A : vector<16xi32>
        %swap3A_248 = arith.constant 0 : i32
        %swap3A_249 = arith.constant 0 : i32
        %swap3A_250 = tpu.memref_slice %arg11[%swap3A_248, %swap3A_249] : memref<1x128xi32, #tpu.memory_space<vmem>> -> memref<1x128xi32, #tpu.memory_space<vmem>>
        %swap3A_251 = tpu.memref_squeeze %swap3A_250 : memref<1x128xi32, #tpu.memory_space<vmem>> -> memref<128xi32, #tpu.memory_space<vmem>>
        %swap3A_252 = arith.constant 64 : index
        %swap3A_253 = tpu.vector_load %swap3A_251[%swap3A_252] {strides = array<i32>} : memref<128xi32, #tpu.memory_space<vmem>>, vector<16xi32>,
        tpu.vector_store %swap3A_251[%swap3A_252], %add3A_247 {strides = array<i32>} : memref<128xi32, #tpu.memory_space<vmem>>, vector<16xi32>,
        %mul3A_254 = arith.constant 8 : i32
        %mul3A_255 = arith.muli %while3A_108, %mul3A_254 : i32
        %add3A_256 = arith.constant 5 : i32
        %add3A_257 = arith.addi %mul3A_255, %add3A_256 : i32
        %broadcast_in_dim3A_258 = vector.broadcast %add3A_257 : i32 to vector<16xi32>
        %gather3A_259 = tpu.vector_load_idx %arg8[%broadcast_in_dim3A_258] : memref<16400xi32, #tpu.memory_space<vmem>>[vector<16xi32>], vector<16xi32>,
        %gather3A_260 = tpu.vector_load_idx %arg9[%broadcast_in_dim3A_258] : memref<16400xi32, #tpu.memory_space<vmem>>[vector<16xi32>], vector<16xi32>,
        %add3A_261 = vector.broadcast %multiple_of3A : i32 to vector<16xi32>
        %add3A_262 = arith.addi %gather3A_259, %add3A_261 : vector<16xi32>
        %mul3A_263 = arith.constant 16 : i32
        %mul3A_264 = vector.broadcast %mul3A_263 : i32 to vector<16xi32>
        %mul3A_265 = arith.muli %add3A_262, %mul3A_264 : vector<16xi32>
        %add3A_266 = arith.addi %mul3A_265, %iota3A : vector<16xi32>
        %swap3A_267 = arith.constant 0 : i32
        %swap3A_268 = arith.constant 0 : i32
        %swap3A_269 = tpu.memref_slice %arg10[%swap3A_267, %swap3A_268] : memref<1x128xi32, #tpu.memory_space<vmem>> -> memref<1x128xi32, #tpu.memory_space<vmem>>
        %swap3A_270 = tpu.memref_squeeze %swap3A_269 : memref<1x128xi32, #tpu.memory_space<vmem>> -> memref<128xi32, #tpu.memory_space<vmem>>
        %swap3A_271 = arith.constant 80 : index
        %swap3A_272 = tpu.vector_load %swap3A_270[%swap3A_271] {strides = array<i32>} : memref<128xi32, #tpu.memory_space<vmem>>, vector<16xi32>,
        tpu.vector_store %swap3A_270[%swap3A_271], %add3A_266 {strides = array<i32>} : memref<128xi32, #tpu.memory_space<vmem>>, vector<16xi32>,
        %mul3A_273 = arith.constant 16 : i32
        %mul3A_274 = vector.broadcast %mul3A_273 : i32 to vector<16xi32>
        %mul3A_275 = arith.muli %gather3A_260, %mul3A_274 : vector<16xi32>
        %add3A_276 = arith.addi %mul3A_275, %iota3A : vector<16xi32>
        %swap3A_277 = arith.constant 0 : i32
        %swap3A_278 = arith.constant 0 : i32
        %swap3A_279 = tpu.memref_slice %arg11[%swap3A_277, %swap3A_278] : memref<1x128xi32, #tpu.memory_space<vmem>> -> memref<1x128xi32, #tpu.memory_space<vmem>>
        %swap3A_280 = tpu.memref_squeeze %swap3A_279 : memref<1x128xi32, #tpu.memory_space<vmem>> -> memref<128xi32, #tpu.memory_space<vmem>>
        %swap3A_281 = arith.constant 80 : index
        %swap3A_282 = tpu.vector_load %swap3A_280[%swap3A_281] {strides = array<i32>} : memref<128xi32, #tpu.memory_space<vmem>>, vector<16xi32>,
        tpu.vector_store %swap3A_280[%swap3A_281], %add3A_276 {strides = array<i32>} : memref<128xi32, #tpu.memory_space<vmem>>, vector<16xi32>,
        %mul3A_283 = arith.constant 8 : i32
        %mul3A_284 = arith.muli %while3A_108, %mul3A_283 : i32
        %add3A_285 = arith.constant 6 : i32
        %add3A_286 = arith.addi %mul3A_284, %add3A_285 : i32
        %broadcast_in_dim3A_287 = vector.broadcast %add3A_286 : i32 to vector<16xi32>
        %gather3A_288 = tpu.vector_load_idx %arg8[%broadcast_in_dim3A_287] : memref<16400xi32, #tpu.memory_space<vmem>>[vector<16xi32>], vector<16xi32>,
        %gather3A_289 = tpu.vector_load_idx %arg9[%broadcast_in_dim3A_287] : memref<16400xi32, #tpu.memory_space<vmem>>[vector<16xi32>], vector<16xi32>,
        %add3A_290 = vector.broadcast %multiple_of3A : i32 to vector<16xi32>
        %add3A_291 = arith.addi %gather3A_288, %add3A_290 : vector<16xi32>
        %mul3A_292 = arith.constant 16 : i32
        %mul3A_293 = vector.broadcast %mul3A_292 : i32 to vector<16xi32>
        %mul3A_294 = arith.muli %add3A_291, %mul3A_293 : vector<16xi32>
        %add3A_295 = arith.addi %mul3A_294, %iota3A : vector<16xi32>
        %swap3A_296 = arith.constant 0 : i32
        %swap3A_297 = arith.constant 0 : i32
        %swap3A_298 = tpu.memref_slice %arg10[%swap3A_296, %swap3A_297] : memref<1x128xi32, #tpu.memory_space<vmem>> -> memref<1x128xi32, #tpu.memory_space<vmem>>
        %swap3A_299 = tpu.memref_squeeze %swap3A_298 : memref<1x128xi32, #tpu.memory_space<vmem>> -> memref<128xi32, #tpu.memory_space<vmem>>
        %swap3A_300 = arith.constant 96 : index
        %swap3A_301 = tpu.vector_load %swap3A_299[%swap3A_300] {strides = array<i32>} : memref<128xi32, #tpu.memory_space<vmem>>, vector<16xi32>,
        tpu.vector_store %swap3A_299[%swap3A_300], %add3A_295 {strides = array<i32>} : memref<128xi32, #tpu.memory_space<vmem>>, vector<16xi32>,
        %mul3A_302 = arith.constant 16 : i32
        %mul3A_303 = vector.broadcast %mul3A_302 : i32 to vector<16xi32>
        %mul3A_304 = arith.muli %gather3A_289, %mul3A_303 : vector<16xi32>
        %add3A_305 = arith.addi %mul3A_304, %iota3A : vector<16xi32>
        %swap3A_306 = arith.constant 0 : i32
        %swap3A_307 = arith.constant 0 : i32
        %swap3A_308 = tpu.memref_slice %arg11[%swap3A_306, %swap3A_307] : memref<1x128xi32, #tpu.memory_space<vmem>> -> memref<1x128xi32, #tpu.memory_space<vmem>>
        %swap3A_309 = tpu.memref_squeeze %swap3A_308 : memref<1x128xi32, #tpu.memory_space<vmem>> -> memref<128xi32, #tpu.memory_space<vmem>>
        %swap3A_310 = arith.constant 96 : index
        %swap3A_311 = tpu.vector_load %swap3A_309[%swap3A_310] {strides = array<i32>} : memref<128xi32, #tpu.memory_space<vmem>>, vector<16xi32>,
        tpu.vector_store %swap3A_309[%swap3A_310], %add3A_305 {strides = array<i32>} : memref<128xi32, #tpu.memory_space<vmem>>, vector<16xi32>,
        %mul3A_312 = arith.constant 8 : i32
        %mul3A_313 = arith.muli %while3A_108, %mul3A_312 : i32
        %add3A_314 = arith.constant 7 : i32
        %add3A_315 = arith.addi %mul3A_313, %add3A_314 : i32
        %broadcast_in_dim3A_316 = vector.broadcast %add3A_315 : i32 to vector<16xi32>
        %gather3A_317 = tpu.vector_load_idx %arg8[%broadcast_in_dim3A_316] : memref<16400xi32, #tpu.memory_space<vmem>>[vector<16xi32>], vector<16xi32>,
        %gather3A_318 = tpu.vector_load_idx %arg9[%broadcast_in_dim3A_316] : memref<16400xi32, #tpu.memory_space<vmem>>[vector<16xi32>], vector<16xi32>,
        %add3A_319 = vector.broadcast %multiple_of3A : i32 to vector<16xi32>
        %add3A_320 = arith.addi %gather3A_317, %add3A_319 : vector<16xi32>
        %mul3A_321 = arith.constant 16 : i32
        %mul3A_322 = vector.broadcast %mul3A_321 : i32 to vector<16xi32>
        %mul3A_323 = arith.muli %add3A_320, %mul3A_322 : vector<16xi32>
        %add3A_324 = arith.addi %mul3A_323, %iota3A : vector<16xi32>
        %swap3A_325 = arith.constant 0 : i32
        %swap3A_326 = arith.constant 0 : i32
        %swap3A_327 = tpu.memref_slice %arg10[%swap3A_325, %swap3A_326] : memref<1x128xi32, #tpu.memory_space<vmem>> -> memref<1x128xi32, #tpu.memory_space<vmem>>
        %swap3A_328 = tpu.memref_squeeze %swap3A_327 : memref<1x128xi32, #tpu.memory_space<vmem>> -> memref<128xi32, #tpu.memory_space<vmem>>
        %swap3A_329 = arith.constant 112 : index
        %swap3A_330 = tpu.vector_load %swap3A_328[%swap3A_329] {strides = array<i32>} : memref<128xi32, #tpu.memory_space<vmem>>, vector<16xi32>,
        tpu.vector_store %swap3A_328[%swap3A_329], %add3A_324 {strides = array<i32>} : memref<128xi32, #tpu.memory_space<vmem>>, vector<16xi32>,
        %mul3A_331 = arith.constant 16 : i32
        %mul3A_332 = vector.broadcast %mul3A_331 : i32 to vector<16xi32>
        %mul3A_333 = arith.muli %gather3A_318, %mul3A_332 : vector<16xi32>
        %add3A_334 = arith.addi %mul3A_333, %iota3A : vector<16xi32>
        %swap3A_335 = arith.constant 0 : i32
        %swap3A_336 = arith.constant 0 : i32
        %swap3A_337 = tpu.memref_slice %arg11[%swap3A_335, %swap3A_336] : memref<1x128xi32, #tpu.memory_space<vmem>> -> memref<1x128xi32, #tpu.memory_space<vmem>>
        %swap3A_338 = tpu.memref_squeeze %swap3A_337 : memref<1x128xi32, #tpu.memory_space<vmem>> -> memref<128xi32, #tpu.memory_space<vmem>>
        %swap3A_339 = arith.constant 112 : index
        %swap3A_340 = tpu.vector_load %swap3A_338[%swap3A_339] {strides = array<i32>} : memref<128xi32, #tpu.memory_space<vmem>>, vector<16xi32>,
        tpu.vector_store %swap3A_338[%swap3A_339], %add3A_334 {strides = array<i32>} : memref<128xi32, #tpu.memory_space<vmem>>, vector<16xi32>,
        %dma_start3A = arith.constant 0 : i32
        %dma_start3A_341 = arith.constant 0 : i32
        %dma_start3A_342 = tpu.memref_slice %arg11[%dma_start3A, %dma_start3A_341] : memref<1x128xi32, #tpu.memory_space<vmem>> -> memref<1x128xi32, #tpu.memory_space<vmem>>
        %dma_start3A_343 = tpu.memref_squeeze %dma_start3A_342 : memref<1x128xi32, #tpu.memory_space<vmem>> -> memref<128xi32, #tpu.memory_space<vmem>>
        %dma_start3A_344 = arith.constant 0 : i32
        %dma_start3A_345 = tpu.memref_slice %arg3[%dma_start3A_344] : memref<262144xf32, #tpu.memory_space<hbm>> -> memref<262144xf32, #tpu.memory_space<hbm>>
        tpu.enqueue_indirect_dma source(%dma_start3A_345 : memref<262144xf32, #tpu.memory_space<hbm>>) target(%arg12 : memref<128xf32, #tpu.memory_space<vmem>>) offsets(%dma_start3A_343 : memref<128xi32, #tpu.memory_space<vmem>>) semaphore(%arg18 : memref<!tpu.dma_semaphore, #tpu.memory_space<semaphore_mem>>)
        %dma_wait3A = arith.constant 0 : i32
        %dma_wait3A_346 = arith.constant 0 : i32
        %dma_wait3A_347 = tpu.memref_slice %arg11[%dma_wait3A, %dma_wait3A_346] : memref<1x128xi32, #tpu.memory_space<vmem>> -> memref<1x128xi32, #tpu.memory_space<vmem>>
        %dma_wait3A_348 = tpu.memref_squeeze %dma_wait3A_347 : memref<1x128xi32, #tpu.memory_space<vmem>> -> memref<128xi32, #tpu.memory_space<vmem>>
        %dma_wait3A_349 = arith.constant 0 : i32
        %dma_wait3A_350 = tpu.memref_slice %arg3[%dma_wait3A_349] : memref<262144xf32, #tpu.memory_space<hbm>> -> memref<262144xf32, #tpu.memory_space<hbm>>
        tpu.wait_indirect_dma semaphore(%arg18 : memref<!tpu.dma_semaphore, #tpu.memory_space<semaphore_mem>>) src(%dma_wait3A_350 : memref<262144xf32, #tpu.memory_space<hbm>>) dst(%arg12 : memref<128xf32, #tpu.memory_space<vmem>>)
        %dma_start3A_351 = arith.constant 0 : i32
        %dma_start3A_352 = arith.constant 0 : i32
        %dma_start3A_353 = tpu.memref_slice %arg10[%dma_start3A_351, %dma_start3A_352] : memref<1x128xi32, #tpu.memory_space<vmem>> -> memref<1x128xi32, #tpu.memory_space<vmem>>
        %dma_start3A_354 = tpu.memref_squeeze %dma_start3A_353 : memref<1x128xi32, #tpu.memory_space<vmem>> -> memref<128xi32, #tpu.memory_space<vmem>>
        %dma_start3A_355 = arith.constant 0 : i32
        %dma_start3A_356 = tpu.memref_slice %arg4[%dma_start3A_355] : memref<16000000xf32, #tpu.memory_space<hbm>> -> memref<16000000xf32, #tpu.memory_space<hbm>>
        tpu.enqueue_indirect_dma source(%arg12 : memref<128xf32, #tpu.memory_space<vmem>>) target(%dma_start3A_356 : memref<16000000xf32, #tpu.memory_space<hbm>>) offsets(%dma_start3A_354 : memref<128xi32, #tpu.memory_space<vmem>>) semaphore(%arg19 : memref<!tpu.dma_semaphore, #tpu.memory_space<semaphore_mem>>)
        %dma_wait3A_357 = arith.constant 0 : i32
        %dma_wait3A_358 = arith.constant 0 : i32
        %dma_wait3A_359 = tpu.memref_slice %arg10[%dma_wait3A_357, %dma_wait3A_358] : memref<1x128xi32, #tpu.memory_space<vmem>> -> memref<1x128xi32, #tpu.memory_space<vmem>>
        %dma_wait3A_360 = tpu.memref_squeeze %dma_wait3A_359 : memref<1x128xi32, #tpu.memory_space<vmem>> -> memref<128xi32, #tpu.memory_space<vmem>>
        %dma_wait3A_361 = arith.constant 0 : i32
        %dma_wait3A_362 = tpu.memref_slice %arg4[%dma_wait3A_361] : memref<16000000xf32, #tpu.memory_space<hbm>> -> memref<16000000xf32, #tpu.memory_space<hbm>>
        tpu.wait_indirect_dma semaphore(%arg19 : memref<!tpu.dma_semaphore, #tpu.memory_space<semaphore_mem>>) src(%arg12 : memref<128xf32, #tpu.memory_space<vmem>>) dst(%dma_wait3A_362 : memref<16000000xf32, #tpu.memory_space<hbm>>)
        %while3A_363 = arith.constant 0 : i32
        scf.yield %while3A_363 : i32
      }
      %while3A_106 = arith.constant 1 : i32
      %while3A_107 = scf.for %while3A_108 = %while3A_103 to %while3A_99 step %while3A_106 iter_args(%while3A_109 = %while3A_105) -> (i32)  : i32 {
        %mul3A_110 = arith.constant 8 : i32
        %mul3A_111 = arith.muli %while3A_108, %mul3A_110 : i32
        %add3A_112 = arith.constant 0 : i32
        %add3A_113 = arith.addi %mul3A_111, %add3A_112 : i32
        %broadcast_in_dim3A_114 = vector.broadcast %add3A_113 : i32 to vector<16xi32>
        %gather3A_115 = tpu.vector_load_idx %arg8[%broadcast_in_dim3A_114] : memref<16400xi32, #tpu.memory_space<vmem>>[vector<16xi32>], vector<16xi32>,
        %gather3A_116 = tpu.vector_load_idx %arg9[%broadcast_in_dim3A_114] : memref<16400xi32, #tpu.memory_space<vmem>>[vector<16xi32>], vector<16xi32>,
        %add3A_117 = vector.broadcast %multiple_of3A : i32 to vector<16xi32>
        %add3A_118 = arith.addi %gather3A_115, %add3A_117 : vector<16xi32>
        %mul3A_119 = arith.constant 16 : i32
        %mul3A_120 = vector.broadcast %mul3A_119 : i32 to vector<16xi32>
        %mul3A_121 = arith.muli %add3A_118, %mul3A_120 : vector<16xi32>
        %add3A_122 = arith.addi %mul3A_121, %iota3A : vector<16xi32>
        %swap3A = arith.constant 0 : i32
        %swap3A_123 = arith.constant 0 : i32
        %swap3A_124 = tpu.memref_slice %arg10[%swap3A, %swap3A_123] : memref<1x128xi32, #tpu.memory_space<vmem>> -> memref<1x128xi32, #tpu.memory_space<vmem>>
        %swap3A_125 = tpu.memref_squeeze %swap3A_124 : memref<1x128xi32, #tpu.memory_space<vmem>> -> memref<128xi32, #tpu.memory_space<vmem>>
        %swap3A_126 = arith.constant 0 : index
        %swap3A_127 = tpu.vector_load %swap3A_125[%swap3A_126] {strides = array<i32>} : memref<128xi32, #tpu.memory_space<vmem>>, vector<16xi32>,
        tpu.vector_store %swap3A_125[%swap3A_126], %add3A_122 {strides = array<i32>} : memref<128xi32, #tpu.memory_space<vmem>>, vector<16xi32>,
        %mul3A_128 = arith.constant 16 : i32
        %mul3A_129 = vector.broadcast %mul3A_128 : i32 to vector<16xi32>
        %mul3A_130 = arith.muli %gather3A_116, %mul3A_129 : vector<16xi32>
        %add3A_131 = arith.addi %mul3A_130, %iota3A : vector<16xi32>
        %swap3A_132 = arith.constant 0 : i32
        %swap3A_133 = arith.constant 0 : i32
        %swap3A_134 = tpu.memref_slice %arg11[%swap3A_132, %swap3A_133] : memref<1x128xi32, #tpu.memory_space<vmem>> -> memref<1x128xi32, #tpu.memory_space<vmem>>
        %swap3A_135 = tpu.memref_squeeze %swap3A_134 : memref<1x128xi32, #tpu.memory_space<vmem>> -> memref<128xi32, #tpu.memory_space<vmem>>
        %swap3A_136 = arith.constant 0 : index
        %swap3A_137 = tpu.vector_load %swap3A_135[%swap3A_136] {strides = array<i32>} : memref<128xi32, #tpu.memory_space<vmem>>, vector<16xi32>,
        tpu.vector_store %swap3A_135[%swap3A_136], %add3A_131 {strides = array<i32>} : memref<128xi32, #tpu.memory_space<vmem>>, vector<16xi32>,
        %mul3A_138 = arith.constant 8 : i32
        %mul3A_139 = arith.muli %while3A_108, %mul3A_138 : i32
        %add3A_140 = arith.constant 1 : i32
        %add3A_141 = arith.addi %mul3A_139, %add3A_140 : i32
        %broadcast_in_dim3A_142 = vector.broadcast %add3A_141 : i32 to vector<16xi32>
        %gather3A_143 = tpu.vector_load_idx %arg8[%broadcast_in_dim3A_142] : memref<16400xi32, #tpu.memory_space<vmem>>[vector<16xi32>], vector<16xi32>,
        %gather3A_144 = tpu.vector_load_idx %arg9[%broadcast_in_dim3A_142] : memref<16400xi32, #tpu.memory_space<vmem>>[vector<16xi32>], vector<16xi32>,
        %add3A_145 = vector.broadcast %multiple_of3A : i32 to vector<16xi32>
        %add3A_146 = arith.addi %gather3A_143, %add3A_145 : vector<16xi32>
        %mul3A_147 = arith.constant 16 : i32
        %mul3A_148 = vector.broadcast %mul3A_147 : i32 to vector<16xi32>
        %mul3A_149 = arith.muli %add3A_146, %mul3A_148 : vector<16xi32>
        %add3A_150 = arith.addi %mul3A_149, %iota3A : vector<16xi32>
        %swap3A_151 = arith.constant 0 : i32
        %swap3A_152 = arith.constant 0 : i32
        %swap3A_153 = tpu.memref_slice %arg10[%swap3A_151, %swap3A_152] : memref<1x128xi32, #tpu.memory_space<vmem>> -> memref<1x128xi32, #tpu.memory_space<vmem>>
        %swap3A_154 = tpu.memref_squeeze %swap3A_153 : memref<1x128xi32, #tpu.memory_space<vmem>> -> memref<128xi32, #tpu.memory_space<vmem>>
        %swap3A_155 = arith.constant 16 : index
        %swap3A_156 = tpu.vector_load %swap3A_154[%swap3A_155] {strides = array<i32>} : memref<128xi32, #tpu.memory_space<vmem>>, vector<16xi32>,
        tpu.vector_store %swap3A_154[%swap3A_155], %add3A_150 {strides = array<i32>} : memref<128xi32, #tpu.memory_space<vmem>>, vector<16xi32>,
        %mul3A_157 = arith.constant 16 : i32
        %mul3A_158 = vector.broadcast %mul3A_157 : i32 to vector<16xi32>
        %mul3A_159 = arith.muli %gather3A_144, %mul3A_158 : vector<16xi32>
        %add3A_160 = arith.addi %mul3A_159, %iota3A : vector<16xi32>
        %swap3A_161 = arith.constant 0 : i32
        %swap3A_162 = arith.constant 0 : i32
        %swap3A_163 = tpu.memref_slice %arg11[%swap3A_161, %swap3A_162] : memref<1x128xi32, #tpu.memory_space<vmem>> -> memref<1x128xi32, #tpu.memory_space<vmem>>
        %swap3A_164 = tpu.memref_squeeze %swap3A_163 : memref<1x128xi32, #tpu.memory_space<vmem>> -> memref<128xi32, #tpu.memory_space<vmem>>
        %swap3A_165 = arith.constant 16 : index
        %swap3A_166 = tpu.vector_load %swap3A_164[%swap3A_165] {strides = array<i32>} : memref<128xi32, #tpu.memory_space<vmem>>, vector<16xi32>,
        tpu.vector_store %swap3A_164[%swap3A_165], %add3A_160 {strides = array<i32>} : memref<128xi32, #tpu.memory_space<vmem>>, vector<16xi32>,
        %mul3A_167 = arith.constant 8 : i32
        %mul3A_168 = arith.muli %while3A_108, %mul3A_167 : i32
        %add3A_169 = arith.constant 2 : i32
        %add3A_170 = arith.addi %mul3A_168, %add3A_169 : i32
        %broadcast_in_dim3A_171 = vector.broadcast %add3A_170 : i32 to vector<16xi32>
        %gather3A_172 = tpu.vector_load_idx %arg8[%broadcast_in_dim3A_171] : memref<16400xi32, #tpu.memory_space<vmem>>[vector<16xi32>], vector<16xi32>,
        %gather3A_173 = tpu.vector_load_idx %arg9[%broadcast_in_dim3A_171] : memref<16400xi32, #tpu.memory_space<vmem>>[vector<16xi32>], vector<16xi32>,
        %add3A_174 = vector.broadcast %multiple_of3A : i32 to vector<16xi32>
        %add3A_175 = arith.addi %gather3A_172, %add3A_174 : vector<16xi32>
        %mul3A_176 = arith.constant 16 : i32
        %mul3A_177 = vector.broadcast %mul3A_176 : i32 to vector<16xi32>
        %mul3A_178 = arith.muli %add3A_175, %mul3A_177 : vector<16xi32>
        %add3A_179 = arith.addi %mul3A_178, %iota3A : vector<16xi32>
        %swap3A_180 = arith.constant 0 : i32
        %swap3A_181 = arith.constant 0 : i32
        %swap3A_182 = tpu.memref_slice %arg10[%swap3A_180, %swap3A_181] : memref<1x128xi32, #tpu.memory_space<vmem>> -> memref<1x128xi32, #tpu.memory_space<vmem>>
        %swap3A_183 = tpu.memref_squeeze %swap3A_182 : memref<1x128xi32, #tpu.memory_space<vmem>> -> memref<128xi32, #tpu.memory_space<vmem>>
        %swap3A_184 = arith.constant 32 : index
        %swap3A_185 = tpu.vector_load %swap3A_183[%swap3A_184] {strides = array<i32>} : memref<128xi32, #tpu.memory_space<vmem>>, vector<16xi32>,
        tpu.vector_store %swap3A_183[%swap3A_184], %add3A_179 {strides = array<i32>} : memref<128xi32, #tpu.memory_space<vmem>>, vector<16xi32>,
        %mul3A_186 = arith.constant 16 : i32
        %mul3A_187 = vector.broadcast %mul3A_186 : i32 to vector<16xi32>
        %mul3A_188 = arith.muli %gather3A_173, %mul3A_187 : vector<16xi32>
        %add3A_189 = arith.addi %mul3A_188, %iota3A : vector<16xi32>
        %swap3A_190 = arith.constant 0 : i32
        %swap3A_191 = arith.constant 0 : i32
        %swap3A_192 = tpu.memref_slice %arg11[%swap3A_190, %swap3A_191] : memref<1x128xi32, #tpu.memory_space<vmem>> -> memref<1x128xi32, #tpu.memory_space<vmem>>
        %swap3A_193 = tpu.memref_squeeze %swap3A_192 : memref<1x128xi32, #tpu.memory_space<vmem>> -> memref<128xi32, #tpu.memory_space<vmem>>
        %swap3A_194 = arith.constant 32 : index
        %swap3A_195 = tpu.vector_load %swap3A_193[%swap3A_194] {strides = array<i32>} : memref<128xi32, #tpu.memory_space<vmem>>, vector<16xi32>,
        tpu.vector_store %swap3A_193[%swap3A_194], %add3A_189 {strides = array<i32>} : memref<128xi32, #tpu.memory_space<vmem>>, vector<16xi32>,
        %mul3A_196 = arith.constant 8 : i32
        %mul3A_197 = arith.muli %while3A_108, %mul3A_196 : i32
        %add3A_198 = arith.constant 3 : i32
        %add3A_199 = arith.addi %mul3A_197, %add3A_198 : i32
        %broadcast_in_dim3A_200 = vector.broadcast %add3A_199 : i32 to vector<16xi32>
        %gather3A_201 = tpu.vector_load_idx %arg8[%broadcast_in_dim3A_200] : memref<16400xi32, #tpu.memory_space<vmem>>[vector<16xi32>], vector<16xi32>,
        %gather3A_202 = tpu.vector_load_idx %arg9[%broadcast_in_dim3A_200] : memref<16400xi32, #tpu.memory_space<vmem>>[vector<16xi32>], vector<16xi32>,
        %add3A_203 = vector.broadcast %multiple_of3A : i32 to vector<16xi32>
        %add3A_204 = arith.addi %gather3A_201, %add3A_203 : vector<16xi32>
        %mul3A_205 = arith.constant 16 : i32
        %mul3A_206 = vector.broadcast %mul3A_205 : i32 to vector<16xi32>
        %mul3A_207 = arith.muli %add3A_204, %mul3A_206 : vector<16xi32>
        %add3A_208 = arith.addi %mul3A_207, %iota3A : vector<16xi32>
        %swap3A_209 = arith.constant 0 : i32
        %swap3A_210 = arith.constant 0 : i32
        %swap3A_211 = tpu.memref_slice %arg10[%swap3A_209, %swap3A_210] : memref<1x128xi32, #tpu.memory_space<vmem>> -> memref<1x128xi32, #tpu.memory_space<vmem>>
        %swap3A_212 = tpu.memref_squeeze %swap3A_211 : memref<1x128xi32, #tpu.memory_space<vmem>> -> memref<128xi32, #tpu.memory_space<vmem>>
        %swap3A_213 = arith.constant 48 : index
        %swap3A_214 = tpu.vector_load %swap3A_212[%swap3A_213] {strides = array<i32>} : memref<128xi32, #tpu.memory_space<vmem>>, vector<16xi32>,
        tpu.vector_store %swap3A_212[%swap3A_213], %add3A_208 {strides = array<i32>} : memref<128xi32, #tpu.memory_space<vmem>>, vector<16xi32>,
        %mul3A_215 = arith.constant 16 : i32
        %mul3A_216 = vector.broadcast %mul3A_215 : i32 to vector<16xi32>
        %mul3A_217 = arith.muli %gather3A_202, %mul3A_216 : vector<16xi32>
        %add3A_218 = arith.addi %mul3A_217, %iota3A : vector<16xi32>
        %swap3A_219 = arith.constant 0 : i32
        %swap3A_220 = arith.constant 0 : i32
        %swap3A_221 = tpu.memref_slice %arg11[%swap3A_219, %swap3A_220] : memref<1x128xi32, #tpu.memory_space<vmem>> -> memref<1x128xi32, #tpu.memory_space<vmem>>
        %swap3A_222 = tpu.memref_squeeze %swap3A_221 : memref<1x128xi32, #tpu.memory_space<vmem>> -> memref<128xi32, #tpu.memory_space<vmem>>
        %swap3A_223 = arith.constant 48 : index
        %swap3A_224 = tpu.vector_load %swap3A_222[%swap3A_223] {strides = array<i32>} : memref<128xi32, #tpu.memory_space<vmem>>, vector<16xi32>,
        tpu.vector_store %swap3A_222[%swap3A_223], %add3A_218 {strides = array<i32>} : memref<128xi32, #tpu.memory_space<vmem>>, vector<16xi32>,
        %mul3A_225 = arith.constant 8 : i32
        %mul3A_226 = arith.muli %while3A_108, %mul3A_225 : i32
        %add3A_227 = arith.constant 4 : i32
        %add3A_228 = arith.addi %mul3A_226, %add3A_227 : i32
        %broadcast_in_dim3A_229 = vector.broadcast %add3A_228 : i32 to vector<16xi32>
        %gather3A_230 = tpu.vector_load_idx %arg8[%broadcast_in_dim3A_229] : memref<16400xi32, #tpu.memory_space<vmem>>[vector<16xi32>], vector<16xi32>,
        %gather3A_231 = tpu.vector_load_idx %arg9[%broadcast_in_dim3A_229] : memref<16400xi32, #tpu.memory_space<vmem>>[vector<16xi32>], vector<16xi32>,
        %add3A_232 = vector.broadcast %multiple_of3A : i32 to vector<16xi32>
        %add3A_233 = arith.addi %gather3A_230, %add3A_232 : vector<16xi32>
        %mul3A_234 = arith.constant 16 : i32
        %mul3A_235 = vector.broadcast %mul3A_234 : i32 to vector<16xi32>
        %mul3A_236 = arith.muli %add3A_233, %mul3A_235 : vector<16xi32>
        %add3A_237 = arith.addi %mul3A_236, %iota3A : vector<16xi32>
        %swap3A_238 = arith.constant 0 : i32
        %swap3A_239 = arith.constant 0 : i32
        %swap3A_240 = tpu.memref_slice %arg10[%swap3A_238, %swap3A_239] : memref<1x128xi32, #tpu.memory_space<vmem>> -> memref<1x128xi32, #tpu.memory_space<vmem>>
        %swap3A_241 = tpu.memref_squeeze %swap3A_240 : memref<1x128xi32, #tpu.memory_space<vmem>> -> memref<128xi32, #tpu.memory_space<vmem>>
        %swap3A_242 = arith.constant 64 : index
        %swap3A_243 = tpu.vector_load %swap3A_241[%swap3A_242] {strides = array<i32>} : memref<128xi32, #tpu.memory_space<vmem>>, vector<16xi32>,
        tpu.vector_store %swap3A_241[%swap3A_242], %add3A_237 {strides = array<i32>} : memref<128xi32, #tpu.memory_space<vmem>>, vector<16xi32>,
        %mul3A_244 = arith.constant 16 : i32
        %mul3A_245 = vector.broadcast %mul3A_244 : i32 to vector<16xi32>
        %mul3A_246 = arith.muli %gather3A_231, %mul3A_245 : vector<16xi32>
        %add3A_247 = arith.addi %mul3A_246, %iota3A : vector<16xi32>
        %swap3A_248 = arith.constant 0 : i32
        %swap3A_249 = arith.constant 0 : i32
        %swap3A_250 = tpu.memref_slice %arg11[%swap3A_248, %swap3A_249] : memref<1x128xi32, #tpu.memory_space<vmem>> -> memref<1x128xi32, #tpu.memory_space<vmem>>
        %swap3A_251 = tpu.memref_squeeze %swap3A_250 : memref<1x128xi32, #tpu.memory_space<vmem>> -> memref<128xi32, #tpu.memory_space<vmem>>
        %swap3A_252 = arith.constant 64 : index
        %swap3A_253 = tpu.vector_load %swap3A_251[%swap3A_252] {strides = array<i32>} : memref<128xi32, #tpu.memory_space<vmem>>, vector<16xi32>,
        tpu.vector_store %swap3A_251[%swap3A_252], %add3A_247 {strides = array<i32>} : memref<128xi32, #tpu.memory_space<vmem>>, vector<16xi32>,
        %mul3A_254 = arith.constant 8 : i32
        %mul3A_255 = arith.muli %while3A_108, %mul3A_254 : i32
        %add3A_256 = arith.constant 5 : i32
        %add3A_257 = arith.addi %mul3A_255, %add3A_256 : i32
        %broadcast_in_dim3A_258 = vector.broadcast %add3A_257 : i32 to vector<16xi32>
        %gather3A_259 = tpu.vector_load_idx %arg8[%broadcast_in_dim3A_258] : memref<16400xi32, #tpu.memory_space<vmem>>[vector<16xi32>], vector<16xi32>,
        %gather3A_260 = tpu.vector_load_idx %arg9[%broadcast_in_dim3A_258] : memref<16400xi32, #tpu.memory_space<vmem>>[vector<16xi32>], vector<16xi32>,
        %add3A_261 = vector.broadcast %multiple_of3A : i32 to vector<16xi32>
        %add3A_262 = arith.addi %gather3A_259, %add3A_261 : vector<16xi32>
        %mul3A_263 = arith.constant 16 : i32
        %mul3A_264 = vector.broadcast %mul3A_263 : i32 to vector<16xi32>
        %mul3A_265 = arith.muli %add3A_262, %mul3A_264 : vector<16xi32>
        %add3A_266 = arith.addi %mul3A_265, %iota3A : vector<16xi32>
        %swap3A_267 = arith.constant 0 : i32
        %swap3A_268 = arith.constant 0 : i32
        %swap3A_269 = tpu.memref_slice %arg10[%swap3A_267, %swap3A_268] : memref<1x128xi32, #tpu.memory_space<vmem>> -> memref<1x128xi32, #tpu.memory_space<vmem>>
        %swap3A_270 = tpu.memref_squeeze %swap3A_269 : memref<1x128xi32, #tpu.memory_space<vmem>> -> memref<128xi32, #tpu.memory_space<vmem>>
        %swap3A_271 = arith.constant 80 : index
        %swap3A_272 = tpu.vector_load %swap3A_270[%swap3A_271] {strides = array<i32>} : memref<128xi32, #tpu.memory_space<vmem>>, vector<16xi32>,
        tpu.vector_store %swap3A_270[%swap3A_271], %add3A_266 {strides = array<i32>} : memref<128xi32, #tpu.memory_space<vmem>>, vector<16xi32>,
        %mul3A_273 = arith.constant 16 : i32
        %mul3A_274 = vector.broadcast %mul3A_273 : i32 to vector<16xi32>
        %mul3A_275 = arith.muli %gather3A_260, %mul3A_274 : vector<16xi32>
        %add3A_276 = arith.addi %mul3A_275, %iota3A : vector<16xi32>
        %swap3A_277 = arith.constant 0 : i32
        %swap3A_278 = arith.constant 0 : i32
        %swap3A_279 = tpu.memref_slice %arg11[%swap3A_277, %swap3A_278] : memref<1x128xi32, #tpu.memory_space<vmem>> -> memref<1x128xi32, #tpu.memory_space<vmem>>
        %swap3A_280 = tpu.memref_squeeze %swap3A_279 : memref<1x128xi32, #tpu.memory_space<vmem>> -> memref<128xi32, #tpu.memory_space<vmem>>
        %swap3A_281 = arith.constant 80 : index
        %swap3A_282 = tpu.vector_load %swap3A_280[%swap3A_281] {strides = array<i32>} : memref<128xi32, #tpu.memory_space<vmem>>, vector<16xi32>,
        tpu.vector_store %swap3A_280[%swap3A_281], %add3A_276 {strides = array<i32>} : memref<128xi32, #tpu.memory_space<vmem>>, vector<16xi32>,
        %mul3A_283 = arith.constant 8 : i32
        %mul3A_284 = arith.muli %while3A_108, %mul3A_283 : i32
        %add3A_285 = arith.constant 6 : i32
        %add3A_286 = arith.addi %mul3A_284, %add3A_285 : i32
        %broadcast_in_dim3A_287 = vector.broadcast %add3A_286 : i32 to vector<16xi32>
        %gather3A_288 = tpu.vector_load_idx %arg8[%broadcast_in_dim3A_287] : memref<16400xi32, #tpu.memory_space<vmem>>[vector<16xi32>], vector<16xi32>,
        %gather3A_289 = tpu.vector_load_idx %arg9[%broadcast_in_dim3A_287] : memref<16400xi32, #tpu.memory_space<vmem>>[vector<16xi32>], vector<16xi32>,
        %add3A_290 = vector.broadcast %multiple_of3A : i32 to vector<16xi32>
        %add3A_291 = arith.addi %gather3A_288, %add3A_290 : vector<16xi32>
        %mul3A_292 = arith.constant 16 : i32
        %mul3A_293 = vector.broadcast %mul3A_292 : i32 to vector<16xi32>
        %mul3A_294 = arith.muli %add3A_291, %mul3A_293 : vector<16xi32>
        %add3A_295 = arith.addi %mul3A_294, %iota3A : vector<16xi32>
        %swap3A_296 = arith.constant 0 : i32
        %swap3A_297 = arith.constant 0 : i32
        %swap3A_298 = tpu.memref_slice %arg10[%swap3A_296, %swap3A_297] : memref<1x128xi32, #tpu.memory_space<vmem>> -> memref<1x128xi32, #tpu.memory_space<vmem>>
        %swap3A_299 = tpu.memref_squeeze %swap3A_298 : memref<1x128xi32, #tpu.memory_space<vmem>> -> memref<128xi32, #tpu.memory_space<vmem>>
        %swap3A_300 = arith.constant 96 : index
        %swap3A_301 = tpu.vector_load %swap3A_299[%swap3A_300] {strides = array<i32>} : memref<128xi32, #tpu.memory_space<vmem>>, vector<16xi32>,
        tpu.vector_store %swap3A_299[%swap3A_300], %add3A_295 {strides = array<i32>} : memref<128xi32, #tpu.memory_space<vmem>>, vector<16xi32>,
        %mul3A_302 = arith.constant 16 : i32
        %mul3A_303 = vector.broadcast %mul3A_302 : i32 to vector<16xi32>
        %mul3A_304 = arith.muli %gather3A_289, %mul3A_303 : vector<16xi32>
        %add3A_305 = arith.addi %mul3A_304, %iota3A : vector<16xi32>
        %swap3A_306 = arith.constant 0 : i32
        %swap3A_307 = arith.constant 0 : i32
        %swap3A_308 = tpu.memref_slice %arg11[%swap3A_306, %swap3A_307] : memref<1x128xi32, #tpu.memory_space<vmem>> -> memref<1x128xi32, #tpu.memory_space<vmem>>
        %swap3A_309 = tpu.memref_squeeze %swap3A_308 : memref<1x128xi32, #tpu.memory_space<vmem>> -> memref<128xi32, #tpu.memory_space<vmem>>
        %swap3A_310 = arith.constant 96 : index
        %swap3A_311 = tpu.vector_load %swap3A_309[%swap3A_310] {strides = array<i32>} : memref<128xi32, #tpu.memory_space<vmem>>, vector<16xi32>,
        tpu.vector_store %swap3A_309[%swap3A_310], %add3A_305 {strides = array<i32>} : memref<128xi32, #tpu.memory_space<vmem>>, vector<16xi32>,
        %mul3A_312 = arith.constant 8 : i32
        %mul3A_313 = arith.muli %while3A_108, %mul3A_312 : i32
        %add3A_314 = arith.constant 7 : i32
        %add3A_315 = arith.addi %mul3A_313, %add3A_314 : i32
        %broadcast_in_dim3A_316 = vector.broadcast %add3A_315 : i32 to vector<16xi32>
        %gather3A_317 = tpu.vector_load_idx %arg8[%broadcast_in_dim3A_316] : memref<16400xi32, #tpu.memory_space<vmem>>[vector<16xi32>], vector<16xi32>,
        %gather3A_318 = tpu.vector_load_idx %arg9[%broadcast_in_dim3A_316] : memref<16400xi32, #tpu.memory_space<vmem>>[vector<16xi32>], vector<16xi32>,
        %add3A_319 = vector.broadcast %multiple_of3A : i32 to vector<16xi32>
        %add3A_320 = arith.addi %gather3A_317, %add3A_319 : vector<16xi32>
        %mul3A_321 = arith.constant 16 : i32
        %mul3A_322 = vector.broadcast %mul3A_321 : i32 to vector<16xi32>
        %mul3A_323 = arith.muli %add3A_320, %mul3A_322 : vector<16xi32>
        %add3A_324 = arith.addi %mul3A_323, %iota3A : vector<16xi32>
        %swap3A_325 = arith.constant 0 : i32
        %swap3A_326 = arith.constant 0 : i32
        %swap3A_327 = tpu.memref_slice %arg10[%swap3A_325, %swap3A_326] : memref<1x128xi32, #tpu.memory_space<vmem>> -> memref<1x128xi32, #tpu.memory_space<vmem>>
        %swap3A_328 = tpu.memref_squeeze %swap3A_327 : memref<1x128xi32, #tpu.memory_space<vmem>> -> memref<128xi32, #tpu.memory_space<vmem>>
        %swap3A_329 = arith.constant 112 : index
        %swap3A_330 = tpu.vector_load %swap3A_328[%swap3A_329] {strides = array<i32>} : memref<128xi32, #tpu.memory_space<vmem>>, vector<16xi32>,
        tpu.vector_store %swap3A_328[%swap3A_329], %add3A_324 {strides = array<i32>} : memref<128xi32, #tpu.memory_space<vmem>>, vector<16xi32>,
        %mul3A_331 = arith.constant 16 : i32
        %mul3A_332 = vector.broadcast %mul3A_331 : i32 to vector<16xi32>
        %mul3A_333 = arith.muli %gather3A_318, %mul3A_332 : vector<16xi32>
        %add3A_334 = arith.addi %mul3A_333, %iota3A : vector<16xi32>
        %swap3A_335 = arith.constant 0 : i32
        %swap3A_336 = arith.constant 0 : i32
        %swap3A_337 = tpu.memref_slice %arg11[%swap3A_335, %swap3A_336] : memref<1x128xi32, #tpu.memory_space<vmem>> -> memref<1x128xi32, #tpu.memory_space<vmem>>
        %swap3A_338 = tpu.memref_squeeze %swap3A_337 : memref<1x128xi32, #tpu.memory_space<vmem>> -> memref<128xi32, #tpu.memory_space<vmem>>
        %swap3A_339 = arith.constant 112 : index
        %swap3A_340 = tpu.vector_load %swap3A_338[%swap3A_339] {strides = array<i32>} : memref<128xi32, #tpu.memory_space<vmem>>, vector<16xi32>,
        tpu.vector_store %swap3A_338[%swap3A_339], %add3A_334 {strides = array<i32>} : memref<128xi32, #tpu.memory_space<vmem>>, vector<16xi32>,
        %dma_start3A = arith.constant 0 : i32
        %dma_start3A_341 = arith.constant 0 : i32
        %dma_start3A_342 = tpu.memref_slice %arg11[%dma_start3A, %dma_start3A_341] : memref<1x128xi32, #tpu.memory_space<vmem>> -> memref<1x128xi32, #tpu.memory_space<vmem>>
        %dma_start3A_343 = tpu.memref_squeeze %dma_start3A_342 : memref<1x128xi32, #tpu.memory_space<vmem>> -> memref<128xi32, #tpu.memory_space<vmem>>
        %dma_start3A_344 = arith.constant 0 : i32
        %dma_start3A_345 = tpu.memref_slice %arg3[%dma_start3A_344] : memref<262144xf32, #tpu.memory_space<hbm>> -> memref<262144xf32, #tpu.memory_space<hbm>>
        tpu.enqueue_indirect_dma source(%dma_start3A_345 : memref<262144xf32, #tpu.memory_space<hbm>>) target(%arg12 : memref<128xf32, #tpu.memory_space<vmem>>) offsets(%dma_start3A_343 : memref<128xi32, #tpu.memory_space<vmem>>) semaphore(%arg18 : memref<!tpu.dma_semaphore, #tpu.memory_space<semaphore_mem>>)
        %dma_wait3A = arith.constant 0 : i32
        %dma_wait3A_346 = arith.constant 0 : i32
        %dma_wait3A_347 = tpu.memref_slice %arg11[%dma_wait3A, %dma_wait3A_346] : memref<1x128xi32, #tpu.memory_space<vmem>> -> memref<1x128xi32, #tpu.memory_space<vmem>>
        %dma_wait3A_348 = tpu.memref_squeeze %dma_wait3A_347 : memref<1x128xi32, #tpu.memory_space<vmem>> -> memref<128xi32, #tpu.memory_space<vmem>>
        %dma_wait3A_349 = arith.constant 0 : i32
        %dma_wait3A_350 = tpu.memref_slice %arg3[%dma_wait3A_349] : memref<262144xf32, #tpu.memory_space<hbm>> -> memref<262144xf32, #tpu.memory_space<hbm>>
        tpu.wait_indirect_dma semaphore(%arg18 : memref<!tpu.dma_semaphore, #tpu.memory_space<semaphore_mem>>) src(%dma_wait3A_350 : memref<262144xf32, #tpu.memory_space<hbm>>) dst(%arg12 : memref<128xf32, #tpu.memory_space<vmem>>)
        %dma_start3A_351 = arith.constant 0 : i32
        %dma_start3A_352 = arith.constant 0 : i32
        %dma_start3A_353 = tpu.memref_slice %arg10[%dma_start3A_351, %dma_start3A_352] : memref<1x128xi32, #tpu.memory_space<vmem>> -> memref<1x128xi32, #tpu.memory_space<vmem>>
        %dma_start3A_354 = tpu.memref_squeeze %dma_start3A_353 : memref<1x128xi32, #tpu.memory_space<vmem>> -> memref<128xi32, #tpu.memory_space<vmem>>
        %dma_start3A_355 = arith.constant 0 : i32
        %dma_start3A_356 = tpu.memref_slice %arg4[%dma_start3A_355] : memref<16000000xf32, #tpu.memory_space<hbm>> -> memref<16000000xf32, #tpu.memory_space<hbm>>
        tpu.enqueue_indirect_dma source(%arg12 : memref<128xf32, #tpu.memory_space<vmem>>) target(%dma_start3A_356 : memref<16000000xf32, #tpu.memory_space<hbm>>) offsets(%dma_start3A_354 : memref<128xi32, #tpu.memory_space<vmem>>) semaphore(%arg19 : memref<!tpu.dma_semaphore, #tpu.memory_space<semaphore_mem>>)
        %dma_wait3A_357 = arith.constant 0 : i32
        %dma_wait3A_358 = arith.constant 0 : i32
        %dma_wait3A_359 = tpu.memref_slice %arg10[%dma_wait3A_357, %dma_wait3A_358] : memref<1x128xi32, #tpu.memory_space<vmem>> -> memref<1x128xi32, #tpu.memory_space<vmem>>
        %dma_wait3A_360 = tpu.memref_squeeze %dma_wait3A_359 : memref<1x128xi32, #tpu.memory_space<vmem>> -> memref<128xi32, #tpu.memory_space<vmem>>
        %dma_wait3A_361 = arith.constant 0 : i32
        %dma_wait3A_362 = tpu.memref_slice %arg4[%dma_wait3A_361] : memref<16000000xf32, #tpu.memory_space<hbm>> -> memref<16000000xf32, #tpu.memory_space<hbm>>
        tpu.wait_indirect_dma semaphore(%arg19 : memref<!tpu.dma_semaphore, #tpu.memory_space<semaphore_mem>>) src(%arg12 : memref<128xf32, #tpu.memory_space<vmem>>) dst(%dma_wait3A_362 : memref<16000000xf32, #tpu.memory_space<hbm>>)
        %while3A_363 = arith.constant 0 : i32
        scf.yield %while3A_363 : i32
      }
    } else {
    }
    return
  }
}

</mosaic_0001>

<sc_bundles>
// kernel: kernel.3.cloned.1.call-start
scs
__scs_entry_jumppad:
0x0: {  	(pc) =	sbr.rel $0x88, $3  }
0x1: {  	(tag) =	ssettag $0x0;
	lr =	simm.s32 $0x1  }
0x2: {  	[smem:$0x3F9E] =	sst lr;
	_ =	strace $0xD0000000  }
0x3: {  	_ = 	snop  }
0x4: {  	_ = 	snop  }
0x5: {  	_ = 	snop  }
0x6: {  	_ = 	snop  }
0x7: {  	_ = 	snop  }
__scs_overlays_trampoline_lowered:
0x8: {  	[smem:$0x3FAD] =	sst s0  }
0x9: {  	[smem:$0x3FAE] =	sst s1  }
0xa: {  	[smem:$0x3FAF] =	sst s2  }
0xb: {  	[smem:$0x3FB0] =	sst s3  }
0xc: {  	[smem:$0x3FB1] =	sst s4  }
0xd: {  	[smem:$0x3FB2] =	sst s5  }
0xe: {  	[smem:$0x3FB3] =	sst s6  }
0xf: {  	[smem:$0x3FB4] =	sst s7  }
0x10: {  	[smem:$0x3FB5] =	sst s8  }
0x11: {  	[smem:$0x3FB6] =	sst s9;
	s0 =	simm.s32 @!p0 $0x0  }
0x12: {  	s1 =	sld [smem:$0x3F9C];
	s0 =	simm.s32 @p0 $0x1  }
0x13: {  	[smem:$0x3FB7] =	sst s0;
	s0 =	simm.s32 @!p1 $0x0  }
0x14: {  	s2 =	sld [smem:$0x3F9B];
	s0 =	simm.s32 @p1 $0x1  }
0x15: {  	[smem:$0x3FB8] =	sst s0;
	s0 =	simm.s32 @!p2 $0x0  }
0x16: {  	s3 =	sld [smem:$0x3FDB];
	s0 =	simm.s32 @p2 $0x1  }
0x17: {  	s4 =	simm.s32 $0x1BF5;
	[smem:$0x3FBA] =	sst s0  }
0x18: {  	s0 =	sld [smem:$0x3F9D];
	_ =	swait.ge [sflag:s4], $0x0  }
0x19: {  	s7 =	sld [smem:$0x3F9E]  }
0x1a: {  	s8 =	sadd.s32 $0xFFFFE003, lr  }
0x1b: {  	s9 =	sadd.s32 $0xFFFFFEF7, lr;
	s5 =	simm.s32 $0xFFFFFFFF;
	p2 =	slt.u32 s8, $0xFFFFF086  }
0x1c: {  	p1 =	slt.u32 s9, $0xF7A;
	s5 =	simm.s32 @!p2 $0x0  }
0x1d: {  	s5 =	simm.s32 @p1 $0x1;
	p0 =	seq.s32 s7, s2  }
0x1e: {  	s7 =	smul.u32 @!p0 $0xF7A, s2;
	p2 =	seq.s32 @!p0 s5, $0x0  }
0x1f: {  	s9 =	smul.u32 $0xF7A, s1;
	s8 =	simm.s32 @!p0 $0x1BF5;
	p2 =	por !p2, p0  }
0x20: {  	[sflag:s8] =	ssyncset.s32 @!p0 $0xFFFFF086;
	s6 =	sadd.s32 @!p0 s3, s7;
	s7 =	simm.s32 @!p0 $0x108  }
0x21: {  	s3 =	sadd.s32 s3, s9;
	s6 =	sadd.s32 @!p0 $0x88, s6;
	s7 =	simm.s32 @p2 $0x1082  }
0x22: {  	[simem:s7], [sflag:s8] =	dma.local @!p0 [hbm:s6], $0xF7A  }
0x23: {  	s9 =	sor.u32 $0xD0000000, s2;
	s6 =	simm.s32 $0x108;
	_ =	swait.ge @!p0 [sflag:s8], $0x0  }
0x24: {  	s3 =	sadd.s32 $0x88, s3;
	s6 =	simm.s32 @!p1 $0x1082;
	[sflag:s4] =	ssyncset.s32 $0xFFFFF086  }
0x25: {  	[simem:s6], [sflag:s4] =	dma.local [hbm:s3], $0xF7A  }
0x26: {  	[smem:$0x3F9E] =	sst s1;
	(tag) =	ssettag s2;
	_ =	strace s9  }
0x27: {  	s1 =	sld [smem:$0x3FAE]  }
0x28: {  	s2 =	sld [smem:$0x3FAF]  }
0x29: {  	s4 =	sld [smem:$0x3FB1]  }
0x2a: {  	p0 =	seq.s32 s5, $0x0;
	s5 =	sld [smem:$0x3FB2]  }
0x2b: {  	s6 =	sld [smem:$0x3FB3]  }
0x2c: {  	s7 =	sld [smem:$0x3FB4]  }
0x2d: {  	s3 =	simm.s32 $0x108;
	s8 =	sld [smem:$0x3FB5]  }
0x2e: {  	s3 =	simm.s32 @!p0 $0x1082;
	s9 =	sld [smem:$0x3FB6]  }
0x2f: {  	lr =	sadd.s32 s0, s3;
	s0 =	sld [smem:$0x3FAD]  }
0x30: {  	s3 =	sld [smem:$0x3FB0]  }
0x31: {  	[smem:$0x3FB9] =	sst s10  }
0x32: {  	s10 =	sld [smem:$0x3FB7];
	_ =	sdelay $0x3  }
0x33: {  	p0 =	seq.s32 s10, $0x1;
	s10 =	sld [smem:$0x3FB9];
	_ =	sdelay $0x3  }
0x34: {  	[smem:$0x3FB9] =	sst s10  }
0x35: {  	s10 =	sld [smem:$0x3FB8];
	_ =	sdelay $0x3  }
0x36: {  	p1 =	seq.s32 s10, $0x1;
	s10 =	sld [smem:$0x3FB9];
	_ =	sdelay $0x3  }
0x37: {  	[smem:$0x3FB9] =	sst s10  }
0x38: {  	s10 =	sld [smem:$0x3FBA]  }
0x39: {  	_ = 	snop;
	(pc) =	sbr.ind lr, $3  }
0x3a: {  	_ = 	snop  }
0x3b: {  	_ = 	snop  }
0x3c: {  	p2 =	seq.s32 s10, $0x1;
	s10 =	sld [smem:$0x3FB9]  }
0x3d: {  	_ =	shalt  }
0x3e: {  	_ =	shalt  }
0x3f: {  	_ =	shalt  }
0x40: {  	_ =	shalt  }
0x41: {  	_ =	shalt  }
0x42: {  	_ =	shalt  }
0x43: {  	_ =	shalt  }
0x44: {  	_ =	shalt  }
0x45: {  	_ =	shalt  }
0x46: {  	_ =	shalt  }
0x47: {  	_ =	shalt  }
0x48: {  	_ =	shalt  }
0x49: {  	_ =	shalt  }
0x4a: {  	_ =	shalt  }
0x4b: {  	_ =	shalt  }
0x4c: {  	_ =	shalt  }
0x4d: {  	_ =	shalt  }
0x4e: {  	_ =	shalt  }
0x4f: {  	_ =	shalt  }
0x50: {  	_ =	shalt  }
0x51: {  	_ =	shalt  }
0x52: {  	_ =	shalt  }
0x53: {  	_ =	shalt  }
0x54: {  	_ =	shalt  }
0x55: {  	_ =	shalt  }
0x56: {  	_ =	shalt  }
0x57: {  	_ =	shalt  }
0x58: {  	_ =	shalt  }
0x59: {  	_ =	shalt  }
0x5a: {  	_ =	shalt  }
0x5b: {  	_ =	shalt  }
0x5c: {  	_ =	shalt  }
0x5d: {  	_ =	shalt  }
0x5e: {  	_ =	shalt  }
0x5f: {  	_ =	shalt  }
0x60: {  	_ =	shalt  }
0x61: {  	_ =	shalt  }
0x62: {  	_ =	shalt  }
0x63: {  	_ =	shalt  }
0x64: {  	_ =	shalt  }
0x65: {  	_ =	shalt  }
0x66: {  	_ =	shalt  }
0x67: {  	_ =	shalt  }
0x68: {  	_ =	shalt  }
0x69: {  	_ =	shalt  }
0x6a: {  	_ =	shalt  }
0x6b: {  	_ =	shalt  }
0x6c: {  	_ =	shalt  }
0x6d: {  	_ =	shalt  }
0x6e: {  	_ =	shalt  }
0x6f: {  	_ =	shalt  }
0x70: {  	_ =	shalt  }
0x71: {  	_ =	shalt  }
0x72: {  	_ =	shalt  }
0x73: {  	_ =	shalt  }
0x74: {  	_ =	shalt  }
0x75: {  	_ =	shalt  }
0x76: {  	_ =	shalt  }
0x77: {  	_ =	shalt  }
0x78: {  	_ =	shalt  }
0x79: {  	_ =	shalt  }
0x7a: {  	_ =	shalt  }
0x7b: {  	_ =	shalt  }
0x7c: {  	_ =	shalt  }
0x7d: {  	_ =	shalt  }
0x7e: {  	_ =	shalt  }
0x7f: {  	_ =	shalt  }
0x80: {  	_ =	shalt  }
0x81: {  	_ =	shalt  }
0x82: {  	_ =	shalt  }
0x83: {  	_ =	shalt  }
0x84: {  	_ =	shalt  }
0x85: {  	_ =	shalt  }
0x86: {  	_ =	shalt  }
0x87: {  	_ =	shalt  }
.Lfunc_end0:
.L_simem_size_0:
called_computation.1_lowered:
.L_overlay_start_0:
0x88: {  	s2 =	sld [smem:$0x3FD9]  }
0x89: {  	s3 =	sld [smem:$0x3FFE];
	_ =	sdelay $0x1  }
0x8a: {  	s1 =	srdreg.scid  }
0x8b: {  	s0 =	sand.u32 $0x1, s1  }
0x8c: {  	s17 =	sshll.u32 s0, $0xA;
	s2 =	sadd.s32 s3, s2  }
0x8d: {  	s2 =	sadd.s32 s2, s17  }
0x8e: {  	[smem:$0x3FC5] =	sst s2  }
0x8f: {  	_ = 	snop  }
0x90: {  	s2 =	sld [smem:$0x3FC8]  }
0x91: {  	s18 =	sld [smem:$0x3FD0];
	(tm) =	ssettm $0x1  }
0x92: {  	s4 =	sld [smem:$0x3FFB];
	_ =	sdelay $0x3  }
0x93: {  	_ =	strace s4  }
0x94: {  	s4 =	sld [smem:$0x3FFC];
	_ =	sdelay $0x3  }
0x95: {  	_ =	strace s4  }
0x96: {  	s4 =	sld [smem:$0x3FFD];
	_ =	sdelay $0x3  }
0x97: {  	_ =	strace s4  }
0x98: {  	_ =	strace $0x8FFFFFFF  }
0x99: {  	s19 =	sld [smem:$0x3FDB];
	_ =	sdelay $0x1  }
0x9a: {  	s5 =	simm.s32 $_scs_section_size  }
0x9b: {  	s6 =	simm.s32 $_size__tile_overlayer_lowered;
	s7 =	simm.s32 $_tile_overlayer_lowered  }
0x9c: {  	s22 =	simm.s32 $0x1BFF;
	s21 =	sshll.u32 s7, $0x1;
	s4 =	sadd.s32 s5, s19  }
0x9d: {  	s8 =	simm.s32 $0x0;
	s20 =	sshll.u32 s6, $0x1;
	s6 =	sadd.s32 s21, s4  }
0x9e: {  	[timem:s8], [sflag:s22] =	dma.local [hbm:s6], s20  }
0x9f: {  	_ =	swait.ge [sflag:s22], s20  }
0xa0: {  	s5 =	ssub.s32 $0x0, s20;
	[sflag:s22] =	ssyncset.done $0x0  }
0xa1: {  	[sflag:s22] =	ssyncadd.s32 s5;
	_ =	sdelay $0x1  }
0xa2: {  	s23 =	simm.s32 $0x1B8B  }
0xa3: {  	_ =	swait.ge [sflag:s23], $0x1  }
0xa4: {  	[sflag:s23] =	ssyncset.done $0x0  }
0xa5: {  	s25 =	simm.s32 $0x1B8E;
	s24 =	sld [smem:$0x3FFE];
	[sflag:s23] =	ssyncadd.s32 $0xFFFFFFFF  }
0xa6: {  	s26 =	simm.s32 $execute0_lowered;
	[smem:$0x3FD2] =	sst s25  }
0xa7: {  	s6 =	sshll.u32 s26, $0x1;
	_ =	strace $0x80000046;
	[dreg:$0x1] =	wrdreg $0xFFFFFFFF  }
0xa8: {  	s28 =	simm.s32 $_size_execute0_lowered;
	s4 =	sadd.s32 s4, s6;
	[dreg:$0x0] =	wrdreg $0x0  }
0xa9: {  	s6 =	sshll.u32 s28, $0x1;
	[dreg:$0x2] =	wrdreg s4  }
0xaa: {  	[dreg:$0x3] =	wrdreg s6  }
0xab: {  	[dreg:$0x4] =	wrdreg $0xC0  }
0xac: {  	_ =	task [dreg:s8], $0x5FFFF  }
0xad: {  	[dreg:$0x1] =	wrdreg $0xFFFFFFFF  }
0xae: {  	[dreg:$0x0] =	wrdreg $0x60  }
0xaf: {  	[dreg:$0x2] =	wrdreg s2  }
0xb0: {  	[dreg:$0x3] =	wrdreg s24  }
0xb1: {  	[dreg:$0x4] =	wrdreg s18  }
0xb2: {  	[dreg:$0x5] =	wrdreg $0x9  }
0xb3: {  	_ =	task.clear_ibuf [dreg:s8], $0x6FFFF;
	_ =	strace $0x90000046  }
0xb4: {  	s29 =	simm.s32 $0x9;
	_ =	strace $0x80000048  }
0xb5: {  	_ =	swait.ge [sflag:s29], $0x1  }
0xb6: {  	[sflag:s29] =	ssyncadd.s32 $0xFFFFFFFF  }
0xb7: {  	_ =	strace $0x90000048  }
0xb8: {  	_ =	sfence  }
0xb9: {  	s30 =	sld [smem:$0x0];
	_ =	sdelay $0x2  }
0xba: {  	s31 =	sshll.u32 s1, $0xD;
	s1 =	sshrl.u32 s1, $0x2  }
0xbb: {  	s3 =	sand.u32 $0x4000, s31;
	s1 =	sadd.s32 s1, s30  }
0xbc: {  	s0 =	sor.u32 s3, s0;
	s1 =	sshll.u32 s1, $0x11  }
0xbd: {  	s0 =	sor.u32 s1, s0  }
0xbe: {  	s0 =	sadd.s32 $0x8F2B, s0  }
0xbf: {  	[sflag:s0] =	ssyncadd.remote.s32 $0x1  }
0xc0: {  	_ =	sfence.sel $0xFFFF  }
0xc1: {  	[dreg:$0x0] =	wrdreg $0xFFFFFFFF;
	(pc) =	sbr.abs _section_cstart, $3  }
0xc2: {  	[dreg:$0x1] =	wrdreg $0xFFFFFFFF  }
0xc3: {  	_ =	task.clear_ibuf [dreg:s8], $0x2FFFF;
	_ =	strace $0x9FFFFFFF  }
0xc4: {  	(tm) =	ssettm $0x7FFFFFFF  }
0xc5: {  	_ =	shalt  }
tec
execute0_lowered:
.L_overlay_start_1:
0x0: {  	(tag) =	ssettag $0x1  }
0x1: {  	s1 =	rddreg [dreg:$0x0]  }
0x2: {  	s4 =	rddreg [dreg:$0x1]  }
0x3: {  	s3 =	rddreg [dreg:$0x2]  }
0x4: {  	s5 =	srdreg.scid;
	s0 =	rddreg [dreg:$0x3]  }
0x5: {  	s2 =	stileid.u32;
	_ =	strace $0x80000047;
	s12 =	simm.s32 $0x7958  }
0x6: {  	s10 =	simm.s32 $0xFA38;
	s11 =	simm.s32 $0x80;
	s13 =	simm.s32 $0x13B48  }
0x7: {  	s14 =	simm.s32 $0x2;
	s15 =	simm.s32 $0x13A48;
	s16 =	simm.s32 $0x3  }
0x8: {  	s17 =	simm.s32 $0x0;
	s5 =	sand.u32 $0x1, s5;
	s7 =	sshll.u32 s2, $0x1  }
.Ltmp0:
0x9: {  	s4 =	sadd.s32 $0xA00, s4;
	s6 =	ssub.s32 $0x2, s5;
	(pc) =	sbr.rel .LBB2_1-.Ltmp0, $4  }
0xa: {  	s5 =	sor.u32 s5, s7;
	s7 =	simm.s32 $0x1;
	s8 =	sshrl.u32 s6, $0x1  }
0xb: {  	v2 =	vimm.s32 $0x0;
	p0 =	seq.s32 s5, $0x1F;
	s9 =	smul.u32 $0x7A18, s5;
	s6 =	ssub.s32 s6, s8  }
0xc: {  	vm0 =	vcmask $0x300;
	v3 =	vlaneseq.u32;
	v4 =	vimm.s32 $0xFFFFFFFF;
	s12 =	simm.s32 @!p0 $0x7A18;
	s8 =	simm.s32 $0x4000;
	s5 =	smax.u32 s6, $0x1  }
0xd: {  	v5 =	vsel vm0, $0x3, v2;
	s6 =	simm.s32 $0x0;
	v0 =	vmov s9;
	s9 =	simm.s32 $0xBA28;
	v1 =	vmov s12;
	s12 =	simm.s32 $0x13AC8  }
.LBB2_15:
0xe: {  	_ = 	snop  }
.LBB2_18:
0xf: {  	v7 =	vmov s18;
	[tilespmem:$0x13B38] =	vst @p0 v6  }
0x10: {  	v6 =	vshrl.u32 v7, $0x3;
	[tilespmem:s13], [sflag:$0x2] =	stream.indirect.gather @p0 [hbm4b:s4+s11], $0x1, s12, s11, $0xb8;
	[tilespmem:$0x13C18] =	vst v63  }
0x11: {  	v6 =	vshll.u32 v6, v5;
	_ =	swait.ge @p0 [sflag:s14], $0x80  }
0x12: {  	v7 =	vbroadcast v6, $0x0;
	[sflag:s14] =	ssyncset.done @p0 $0x0  }
0x13: {  	[sflag:s14] =	ssyncadd.s32 @p0 $0xFFFFFF80  }
0x14: {  	[hbm4b:s3+s11] =	stream.indirect.scatter @p0 [tilespmem:s13], [sflag:$0x3], $0x1, s15, s11, $0xb8;
	[tilespmem:$0x13C18] =	vst v63  }
0x15: {  	_ =	swait.ge @p0 [sflag:s16], $0x80  }
0x16: {  	[sflag:s16] =	ssyncset.done @p0 $0x0  }
0x17: {  	[sflag:s16] =	ssyncadd.s32 @p0 $0xFFFFFF80  }
0x18: {  	v8 =	vld.idx.msk [tilespmem:v7+s9+$0x0], $0xffff  }
0x19: {  	v7 =	vld.idx.msk [tilespmem:v7+s10+$0x0], $0xffff;
	_ =	sdelay $0x1  }
0x1a: {  	v9 =	vadd.s32 $0x1, v6  }
0x1b: {  	v9 =	vbroadcast v9, $0x0;
	_ =	sdelay $0x1  }
0x1c: {  	v8 =	vadd.s32 v0, v8;
	v7 =	vshll.u32 v7, $0x4  }
0x1d: {  	v8 =	vshll.u32 v8, $0x4;
	v7 =	vor.u32 v3, v7  }
0x1e: {  	v8 =	vor.u32 v3, v8;
	[tilespmem:$0x13AC8] =	vst v7  }
0x1f: {  	[tilespmem:$0x13A48] =	vst v8  }
0x20: {  	v7 =	vld.idx.msk [tilespmem:v9+s9+$0x0], $0xffff  }
0x21: {  	v8 =	vld.idx.msk [tilespmem:v9+s10+$0x0], $0xffff;
	_ =	sdelay $0x1  }
0x22: {  	v59 =	vadd.s32 $0x2, v6  }
0x23: {  	v9 =	vbroadcast v59, $0x0;
	_ =	sdelay $0x1  }
0x24: {  	v7 =	vadd.s32 v0, v7;
	v8 =	vshll.u32 v8, $0x4  }
0x25: {  	v7 =	vshll.u32 v7, $0x4;
	v8 =	vor.u32 v3, v8  }
0x26: {  	v7 =	vor.u32 v3, v7;
	[tilespmem:$0x13AD8] =	vst v8  }
0x27: {  	[tilespmem:$0x13A58] =	vst v7  }
0x28: {  	v7 =	vld.idx.msk [tilespmem:v9+s9+$0x0], $0xffff  }
0x29: {  	v8 =	vld.idx.msk [tilespmem:v9+s10+$0x0], $0xffff;
	_ =	sdelay $0x1  }
0x2a: {  	v60 =	vadd.s32 $0x3, v6  }
0x2b: {  	v9 =	vbroadcast v60, $0x0;
	_ =	sdelay $0x1  }
0x2c: {  	v7 =	vadd.s32 v0, v7;
	v8 =	vshll.u32 v8, $0x4  }
0x2d: {  	v7 =	vshll.u32 v7, $0x4;
	v8 =	vor.u32 v3, v8  }
0x2e: {  	v7 =	vor.u32 v3, v7;
	[tilespmem:$0x13AE8] =	vst v8  }
0x2f: {  	[tilespmem:$0x13A68] =	vst v7  }
0x30: {  	v7 =	vld.idx.msk [tilespmem:v9+s9+$0x0], $0xffff  }
0x31: {  	v8 =	vld.idx.msk [tilespmem:v9+s10+$0x0], $0xffff;
	_ =	sdelay $0x1  }
0x32: {  	v61 =	vadd.s32 $0x4, v6  }
0x33: {  	v9 =	vbroadcast v61, $0x0;
	_ =	sdelay $0x1  }
0x34: {  	v7 =	vadd.s32 v0, v7;
	v8 =	vshll.u32 v8, $0x4  }
0x35: {  	v7 =	vshll.u32 v7, $0x4;
	v8 =	vor.u32 v3, v8  }
0x36: {  	v7 =	vor.u32 v3, v7;
	[tilespmem:$0x13AF8] =	vst v8  }
0x37: {  	[tilespmem:$0x13A78] =	vst v7  }
0x38: {  	v7 =	vld.idx.msk [tilespmem:v9+s9+$0x0], $0xffff  }
0x39: {  	v8 =	vld.idx.msk [tilespmem:v9+s10+$0x0], $0xffff;
	_ =	sdelay $0x1  }
0x3a: {  	v62 =	vadd.s32 $0x5, v6  }
0x3b: {  	v9 =	vbroadcast v62, $0x0;
	_ =	sdelay $0x1  }
0x3c: {  	v7 =	vadd.s32 v0, v7;
	v8 =	vshll.u32 v8, $0x4  }
0x3d: {  	v7 =	vshll.u32 v7, $0x4;
	v8 =	vor.u32 v3, v8  }
0x3e: {  	v7 =	vor.u32 v3, v7;
	[tilespmem:$0x13B08] =	vst v8  }
0x3f: {  	[tilespmem:$0x13A88] =	vst v7  }
0x40: {  	v7 =	vld.idx.msk [tilespmem:v9+s9+$0x0], $0xffff  }
0x41: {  	v8 =	vld.idx.msk [tilespmem:v9+s10+$0x0], $0xffff;
	_ =	sdelay $0x1  }
0x42: {  	v63 =	vadd.s32 $0x6, v6  }
0x43: {  	v9 =	vbroadcast v63, $0x0;
	_ =	sdelay $0x1  }
0x44: {  	v7 =	vadd.s32 v0, v7;
	v8 =	vshll.u32 v8, $0x4  }
0x45: {  	v7 =	vshll.u32 v7, $0x4;
	v8 =	vor.u32 v3, v8  }
0x46: {  	v7 =	vor.u32 v3, v7;
	[tilespmem:$0x13B18] =	vst v8  }
0x47: {  	[tilespmem:$0x13A98] =	vst v7  }
0x48: {  	v7 =	vld.idx.msk [tilespmem:v9+s9+$0x0], $0xffff  }
0x49: {  	v8 =	vld.idx.msk [tilespmem:v9+s10+$0x0], $0xffff;
	_ =	sdelay $0x1  }
0x4a: {  	v6 =	vadd.s32 $0x7, v6  }
0x4b: {  	v6 =	vbroadcast v6, $0x0;
	_ =	sdelay $0x1  }
0x4c: {  	v7 =	vadd.s32 v0, v7;
	v8 =	vshll.u32 v8, $0x4  }
0x4d: {  	v7 =	vshll.u32 v7, $0x4;
	v8 =	vor.u32 v3, v8  }
0x4e: {  	v7 =	vor.u32 v3, v7;
	[tilespmem:$0x13B28] =	vst v8  }
0x4f: {  	[tilespmem:$0x13AA8] =	vst v7  }
0x50: {  	v7 =	vld.idx.msk [tilespmem:v6+s9+$0x0], $0xffff  }
0x51: {  	v6 =	vld.idx.msk [tilespmem:v6+s10+$0x0], $0xffff;
	_ =	sdelay $0x4  }
0x52: {  	v7 =	vadd.s32 v0, v7;
	v6 =	vshll.u32 v6, $0x4  }
0x53: {  	v7 =	vshll.u32 v7, $0x4;
	v6 =	vor.u32 v3, v6  }
0x54: {  	v7 =	vor.u32 v3, v7;
	[tilespmem:$0x13B38] =	vst v6  }
0x55: {  	[tilespmem:$0x13AB8] =	vst v7  }
0x56: {  	[tilespmem:s13], [sflag:$0x2] =	stream.indirect.gather [hbm4b:s4+s11], $0x1, s12, s11, $0xb8;
	[tilespmem:$0x13C18] =	vst v63  }
0x57: {  	_ =	swait.ge [sflag:s14], $0x80  }
0x58: {  	[sflag:s14] =	ssyncset.done $0x0  }
0x59: {  	[sflag:s14] =	ssyncadd.s32 $0xFFFFFF80  }
0x5a: {  	[hbm4b:s3+s11] =	stream.indirect.scatter [tilespmem:s13], [sflag:$0x3], $0x1, s15, s11, $0xb8;
	[tilespmem:$0x13C18] =	vst v63  }
0x5b: {  	_ =	swait.ge [sflag:s16], $0x80  }
0x5c: {  	[sflag:s16] =	ssyncset.done $0x0  }
0x5d: {  	[sflag:s16] =	ssyncadd.s32 $0xFFFFFF80  }
.LBB2_19:
0x5e: {  	s17 =	sadd.s32 $0x1, s17  }
0x5f: {  	p0 =	sne.s32 s17, s5  }
.Ltmp1:
0x60: {  	_ = 	snop;
	(pc) =	sbr.rel @!p0 .LBB2_20-.Ltmp1, $1  }
0x61: {  	_ =	sdelay $0x3  }
.LBB2_1:
.Ltmp2:
0x62: {  	(pc) =	sbr.rel .LBB2_2-.Ltmp2, $4  }
0x63: {  	[tilespmem:s6], [sflag:$0x1] =	stream.linear.gather [hbm4b:s1+s6], $0x4000, $0x38;
	[tilespmem:$0x13C18] =	vst v63  }
0x64: {  	_ =	swait.ge [sflag:s7], $0x4000  }
0x65: {  	s19 =	simm.s32 $0x0;
	[sflag:s7] =	ssyncset.done $0x0  }
0x66: {  	s20 =	simm.s32 $0x0;
	s18 =	simm.s32 $0x0;
	[sflag:s7] =	ssyncadd.s32 $0xFFFFC000  }
.LBB2_5:
0x67: {  	v7 =	vsel vm1, $0x1, v2  }
0x68: {  	(xrf0) =	vadd.scan.msk.s32 $0xffff, v7;
	_ =	sdelay $0x5  }
0x69: {  	v7, _, _ =	vpop (xrf0)  }
0x6a: {  	(v2sf) =	vpush v7, $0xF;
	_ =	sdelay $0xe  }
0x6b: {  	[tilespmem:s18+$0xBA28] =	vst.msk vm1, v6;
	s22 =	spop (v2sf)  }
0x6c: {  	[tilespmem:s18+$0xFA38] =	vst.msk vm1, v8;
	[smem:$0x0] =	sst s22  }
.LBB2_6:
0x6d: {  	s20 =	sadd.s32 $0x10, s20  }
0x6e: {  	p0 =	sne.s32 s20, $0x4000  }
.Ltmp3:
0x6f: {  	_ = 	snop;
	(pc) =	sbr.rel @!p0 .LBB2_7-.Ltmp3, $2  }
0x70: {  	_ =	sdelay $0x2  }
0x71: {  	s18 =	sadd.s32 s18, s22;
	s19 =	sadd.s32 $0x10, s19  }
.LBB2_2:
0x72: {  	v7 =	vld [tilespmem:s19+$0x0];
	_ =	sdelay $0x4  }
0x73: {  	v6 =	vsub.s32 v7, v0  }
0x74: {  	vm0 =	vgt.s32 v6, $0xFFFFFFFF;
	vm1 =	vlt.s32 v6, v1  }
0x75: {  	vm0 =	vmand vm0, vm1  }
0x76: {  	v10 =	vsel vm0, $0x1, v2  }
0x77: {  	(xrf0) =	vadd.scan.msk.s32 $0xffff, v10;
	_ =	sdelay $0x5  }
0x78: {  	v8, _, _ =	vpop (xrf0)  }
0x79: {  	(v2sf) =	vpush v8, $0xF;
	_ =	sdelay $0xe  }
0x7a: {  	s21 =	spop (v2sf)  }
0x7b: {  	p0 =	slt.s32 s21, $0x1  }
.Ltmp4:
0x7c: {  	_ = 	snop;
	(pc) =	sbr.rel @p0 .LBB2_6-.Ltmp4, $3  }
0x7d: {  	_ =	sdelay $0x1  }
0x7e: {  	s22 =	simm.s32 $0x0  }
0x7f: {  	[smem:$0x0] =	sst s22  }
0x80: {  	v8 =	vand.u32 $0xFFFFFFF8, v6;
	v9 =	vand.u32 $0x7, v7  }
0x81: {  	v9 =	vor.u32 v9, v8;
	_ =	sdelay $0x3  }
0x82: {  	v8 =	vor.u32 s20, v3  }
0x83: {  	[tilespmem:v9+s8+$0x0] =	vst.idx.msk vm0, v8  }
0x84: {  	v11 =	vld.idx.msk [tilespmem:v9+s8+$0x0], vm0;
	_ =	sdelay $0x4  }
0x85: {  	vm1 =	veq.s32 v11, v8  }
0x86: {  	vm1 =	vmand vm0, vm1  }
0x87: {  	v11 =	vsel vm1, $0x1, v2  }
0x88: {  	(xrf0) =	vadd.scan.msk.s32 $0xffff, v11;
	_ =	sdelay $0x5  }
0x89: {  	v12, _, _ =	vpop (xrf0)  }
0x8a: {  	(v2sf) =	vpush v12, $0xF;
	_ =	sdelay $0xe  }
0x8b: {  	s22 =	spop (v2sf)  }
0x8c: {  	p0 =	seq.s32 s21, s22  }
.Ltmp5:
0x8d: {  	_ = 	snop;
	(pc) =	sbr.rel @p0 .LBB2_5-.Ltmp5, $2  }
0x8e: {  	_ =	sdelay $0x2  }
0x8f: {  	[tilespmem:$0x13C08] =	vst v11  }
0x90: {  	[tilespmem:$0x13BC8] =	vst v7  }
0x91: {  	[tilespmem:$0x13BD8] =	vst v4  }
0x92: {  	[tilespmem:$0x13BE8] =	vst v10  }
0x93: {  	[tilespmem:$0x13BF8] =	vst v2;
	v10 =	vld [tilespmem:$0x13BC9]  }
0x94: {  	v11 =	vld [tilespmem:$0x13BE9]  }
0x95: {  	v12 =	vld [tilespmem:$0x13BCA]  }
0x96: {  	v13 =	vld [tilespmem:$0x13BEA]  }
0x97: {  	v14 =	vld [tilespmem:$0x13BCB]  }
0x98: {  	v15 =	vld [tilespmem:$0x13BEB]  }
0x99: {  	v16 =	vld [tilespmem:$0x13BCC]  }
0x9a: {  	v17 =	vld [tilespmem:$0x13BEC]  }
0x9b: {  	v18 =	vld [tilespmem:$0x13BCD]  }
0x9c: {  	v19 =	vld [tilespmem:$0x13BED]  }
0x9d: {  	v20 =	vld [tilespmem:$0x13BCE]  }
0x9e: {  	v21 =	vld [tilespmem:$0x13BEE]  }
0x9f: {  	v22 =	vld [tilespmem:$0x13BCF]  }
0xa0: {  	v23 =	vld [tilespmem:$0x13BEF]  }
0xa1: {  	v52 =	vld [tilespmem:$0x13BD1]  }
0xa2: {  	v53 =	vld [tilespmem:$0x13BF1];
	vm1 =	vne.s32 v11, $0x0;
	vm2 =	veq.s32 v7, v10  }
0xa3: {  	v54 =	vld [tilespmem:$0x13BD2];
	vm3 =	vne.s32 v13, $0x0;
	vm1 =	vmand vm2, vm1;
	vm2 =	veq.s32 v7, v12  }
0xa4: {  	v55 =	vld [tilespmem:$0x13BF2];
	vm4 =	veq.s32 v7, v14;
	vm2 =	vmand vm2, vm3;
	vm3 =	vne.s32 v15, $0x0  }
0xa5: {  	v56 =	vld [tilespmem:$0x13BD3];
	vm1 =	vmor vm1, vm2;
	vm2 =	vmand vm4, vm3  }
0xa6: {  	v10 =	vld [tilespmem:$0x13BD0];
	vm3 =	vne.s32 v17, $0x0;
	vm1 =	vmor vm1, vm2;
	vm2 =	veq.s32 v7, v16  }
0xa7: {  	v11 =	vld [tilespmem:$0x13BF0];
	vm8 =	veq.s32 v7, v18;
	vm2 =	vmand vm2, vm3;
	vm3 =	vne.s32 v19, $0x0  }
0xa8: {  	v57 =	vld [tilespmem:$0x13BF3];
	vm1 =	vmor vm1, vm2;
	vm2 =	vmand vm8, vm3  }
0xa9: {  	v58 =	vld [tilespmem:$0x13BD4];
	vm3 =	vne.s32 v21, $0x0;
	vm1 =	vmor vm1, vm2;
	vm2 =	veq.s32 v7, v20  }
0xaa: {  	v59 =	vld [tilespmem:$0x13BF4];
	vm9 =	veq.s32 v7, v22;
	vm2 =	vmand vm2, vm3;
	vm3 =	vne.s32 v23, $0x0  }
0xab: {  	v60 =	vld [tilespmem:$0x13BD6];
	vm1 =	vmor vm1, vm2;
	vm2 =	vmand vm9, vm3  }
0xac: {  	v63 =	vld [tilespmem:$0x13BF7];
	vm3 =	vne.s32 v11, $0x0;
	vm1 =	vmor vm1, vm2;
	vm2 =	veq.s32 v7, v10  }
0xad: {  	vm10 =	veq.s32 v7, v52;
	v10 =	vld [tilespmem:$0x13BD5];
	vm2 =	vmand vm2, vm3;
	vm3 =	vne.s32 v53, $0x0  }
0xae: {  	vm11 =	veq.s32 v7, v56;
	v11 =	vld [tilespmem:$0x13BF5];
	vm1 =	vmor vm1, vm2;
	vm2 =	vmand vm10, vm3  }
0xaf: {  	v61 =	vld [tilespmem:$0x13BF6];
	vm3 =	vne.s32 v55, $0x0;
	vm1 =	vmor vm1, vm2;
	vm2 =	veq.s32 v7, v54  }
0xb0: {  	v62 =	vld [tilespmem:$0x13BD7];
	vm12 =	veq.s32 v7, v58;
	vm14 =	veq.s32 v7, v60;
	vm2 =	vmand vm2, vm3  }
0xb1: {  	vm15 =	vne.s32 v63, $0x0;
	vm3 =	vne.s32 v57, $0x0;
	vm1 =	vmor vm1, vm2  }
0xb2: {  	vm2 =	vmand vm11, vm3;
	vm3 =	vne.s32 v59, $0x0;
	vm13 =	veq.s32 v7, v10  }
0xb3: {  	vm1 =	vmor vm1, vm2;
	vm2 =	vne.s32 v11, $0x0;
	vm3 =	vmand vm12, vm3  }
0xb4: {  	vm1 =	vmor vm1, vm3;
	vm2 =	vmand vm13, vm2;
	vm3 =	vne.s32 v61, $0x0  }
0xb5: {  	vm1 =	vmor vm1, vm2;
	vm2 =	vmand vm14, vm3;
	vm3 =	veq.s32 v7, v62  }
0xb6: {  	vm1 =	vmor vm1, vm2;
	vm2 =	vmand vm3, vm15  }
0xb7: {  	vm1 =	vmor vm1, vm2  }
0xb8: {  	vm1 =	vmneg vm1  }
0xb9: {  	vm1 =	vmand vm0, vm1;
	_ =	sdelay $0x2  }
.Ltmp6:
0xba: {  	_ = 	snop;
	(pc) =	sbr.rel .LBB2_5-.Ltmp6, $3  }
0xbb: {  	_ =	sdelay $0x1  }
0xbc: {  	v7 =	vsel vm1, $0x1, v2;
	[tilespmem:v9+s8+$0x0] =	vst.idx.msk vm1, v8  }
0xbd: {  	[tilespmem:$0x13C08] =	vst v7  }
.LBB2_7:
0xbe: {  	s19 =	sadd.s32 $0xF, s18  }
0xbf: {  	s20 =	sand.u32 $0xF, s19  }
0xc0: {  	s21 =	sshra.s32 s19, $0x1F;
	p0 =	slt.s32 s19, $0x1;
	p1 =	sne.s32 s20, $0x0  }
0xc1: {  	s31 =	sshrl.u32 s21, $0x1C;
	p0 =	por !p0, !p1  }
0xc2: {  	s20 =	simm.s32 $0x1;
	s19 =	sadd.s32 s31, s19;
	p0 =	por !p0, !p0  }
0xc3: {  	s19 =	sshra.s32 s19, $0x4;
	s20 =	simm.s32 @!p0 $0x0  }
0xc4: {  	s20 =	ssub.s32 s19, s20  }
0xc5: {  	p0 =	slt.s32 s20, $0x1  }
.Ltmp7:
0xc6: {  	_ = 	snop;
	(pc) =	sbr.rel @p0 .LBB2_19-.Ltmp7, $1  }
0xc7: {  	_ =	sdelay $0x3  }
0xc8: {  	p1 =	sne.s32 s20, $0x1  }
.Ltmp8:
0xc9: {  	_ = 	snop;
	(pc) =	sbr.rel @!p1 .LBB2_9-.Ltmp8, $3  }
0xca: {  	_ =	sdelay $0x1  }
0xcb: {  	s21 =	simm.s32 $0xBA28;
	s19 =	simm.s32 $0xFA38  }
0xcc: {  	v7 =	vmov s18;
	s18 =	simm.s32 $0x0;
	s20 =	sadd.s32 $0xFFFFFFFF, s20;
	p0 =	por $0x0, $0x0;
	v6 =	vld [tilespmem:s21+$0x0]  }
0xcd: {  	_ = 	snop  }
0xce: {  	v8 =	vor.u32 s18, v3  }
0xcf: {  	vm0 =	vlt.s32 v8, v7;
	_ =	sdelay $0x4  }
0xd0: {  	v9 =	vld [tilespmem:s19+$0x0]  }
0xd1: {  	v8 =	vld.idx.msk [tilespmem:v6+s8+$0x0], vm0;
	_ =	sdelay $0x4  }
0xd2: {  	vm1 =	veq.s32 v8, v9  }
0xd3: {  	vm0 =	vmand vm0, vm1  }
0xd4: {  	[tilespmem:s18+$0xBA28] =	vst.msk vm0, v6;
	v6 =	vsel vm0, $0x1, v2  }
0xd5: {  	p1 =	sne.s32 s20, $0x1;
	(xrf0) =	vadd.scan.msk.s32 $0xffff, v6  }
.Ltmp9:
0xd6: {  	_ = 	snop;
	(pc) =	sbr.rel @!p1 .LBB2_11-.Ltmp9, $3  }
0xd7: {  	_ =	sdelay $0x1  }
0xd8: {  	s23 =	simm.s32 $0xBA38;
	s24 =	sadd.s32 $0xFFFFFFFF, s20;
	s21 =	simm.s32 $0x10;
	[tilespmem:s18+$0xFA38] =	vst.msk vm0, v9  }
0xd9: {  	p0 =	por $0x1, $0x1;
	s22 =	simm.s32 $0xFA38;
	s20 =	simm.s32 $0x0;
	v6 =	vld [tilespmem:s23+$0x0]  }
.LBB2_12:
0xda: {  	p1 =	sne.s32 s24, $0x1;
	v8 =	vor.u32 s21, v3;
	v9, _, _ =	vpop (xrf0)  }
0xdb: {  	vm0 =	vlt.s32 v8, v7;
	(v2sf) =	vpush v9, $0xF;
	_ =	sdelay $0x5  }
0xdc: {  	s22 =	sadd.s32 $0x10, s22;
	v8 =	vld.idx.msk [tilespmem:v6+s8+$0x0], vm0  }
0xdd: {  	v9 =	vld [tilespmem:s22+$0x0];
	_ =	sdelay $0x4  }
0xde: {  	vm1 =	veq.s32 v8, v9  }
0xdf: {  	vm0 =	vmand vm0, vm1  }
0xe0: {  	v8 =	vsel vm0, $0x1, v2  }
0xe1: {  	(xrf0) =	vadd.scan.msk.s32 $0xffff, v8;
	s25 =	spop (v2sf)  }
.Ltmp10:
0xe2: {  	s20 =	sadd.s32 s20, s25;
	(pc) =	sbr.rel @p1 .LBB2_12-.Ltmp10, $4  }
0xe3: {  	[tilespmem:s20+$0xBA28] =	vst.msk vm0, v6  }
0xe4: {  	[tilespmem:s20+$0xFA38] =	vst.msk vm0, v9  }
0xe5: {  	s23 =	sadd.s32 $0x10, s23  }
0xe6: {  	s24 =	sadd.s32 $0xFFFFFFFF, s24;
	s21 =	sadd.s32 $0x10, s21;
	v6 =	vld [tilespmem:s23+$0x0]  }
.LBB2_13:
0xe7: {  	_ = 	snop  }
0xe8: {  	v8 =	vor.u32 s21, v3  }
0xe9: {  	vm0 =	vlt.s32 v8, v7;
	_ =	sdelay $0x2  }
0xea: {  	s21 =	sadd.s32 @p0 $0x10, s22  }
0xeb: {  	s19 =	smov.u32 @p0 s21  }
0xec: {  	v63 =	vld [tilespmem:s19+$0x0]  }
0xed: {  	v7 =	vld.idx.msk [tilespmem:v6+s8+$0x0], vm0;
	_ =	sdelay $0x4  }
0xee: {  	vm1 =	veq.s32 v7, v63  }
0xef: {  	vm0 =	vmand vm0, vm1  }
0xf0: {  	v7 =	vsel vm0, $0x1, v2  }
0xf1: {  	(xrf0) =	vadd.scan.msk.s32 $0xffff, v7;
	_ =	sdelay $0x3  }
0xf2: {  	v7, _, _ =	vpop @p0 (xrf0)  }
0xf3: {  	(v2sf) =	vpush @p0 v7, $0xF  }
0xf4: {  	v7, _, _ =	vpop (xrf0)  }
0xf5: {  	(v2sf) =	vpush v7, $0xF;
	_ =	sdelay $0xc  }
0xf6: {  	s19 =	spop @p0 (v2sf)  }
0xf7: {  	s19 =	sadd.s32 @p0 s20, s19  }
0xf8: {  	s18 =	smov.u32 @p0 s19;
	s31 =	spop (v2sf)  }
0xf9: {  	s19 =	sadd.s32 s18, s31  }
0xfa: {  	p0 =	slt.s32 s19, $0x1  }
0xfb: {  	s20 =	sand.u32 @!p0 $0xF, s19  }
0xfc: {  	[tilespmem:s18+$0xBA28] =	vst.msk vm0, v6;
	p1 =	seq.s32 @!p0 s20, $0x0;
	s20 =	sadd.s32 @!p0 $0x7, s19  }
0xfd: {  	[tilespmem:s18+$0xFA38] =	vst.msk vm0, v63;
	s18 =	simm.s32 @!p0 $0xBA28;
	s21 =	sand.u32 @!p0 $0x7, s20  }
0xfe: {  	v6 =	vld.msk @!p0 [tilespmem:s18+$0x0], $0xffff;
	s18 =	simm.s32 @!p0 $0xFA38;
	p2 =	slt.s32 @!p0 s20, $0x0;
	p3 =	sne.s32 @!p0 s21, $0x0  }
0xff: {  	p1 =	por p1, p0;
	s21 =	sshra.s32 @!p0 s20, $0x1F;
	p2 =	por @!p0 !p2, !p3  }
0x100: {  	v7 =	vld.msk @!p0 [tilespmem:s18+$0x0], $0xffff;
	s18 =	sand.u32 @!p1 $0x7FFFFFF0, s19;
	s21 =	sshrl.u32 @!p0 s21, $0x1D;
	p2 =	por @!p0 !p2, !p2  }
0x101: {  	v10 =	vlaneseq.u32 @!p1;
	s20 =	sadd.s32 @!p0 s21, s20;
	s21 =	simm.s32 @!p0 $0x1;
	p2 =	por !p2, p0  }
0x102: {  	v10 =	vor.u32 @!p1 s18, v10;
	s20 =	sshra.s32 @!p0 s20, $0x3;
	s21 =	simm.s32 @p2 $0x0  }
0x103: {  	v8 =	vld @!p1 [tilespmem:s18+$0xBA28];
	vm0 =	vlt.s32 @!p1 v10, s19;
	s19 =	ssub.s32 @!p0 s20, s21  }
0x104: {  	v9 =	vld @!p1 [tilespmem:s18+$0xFA38];
	p2 =	slt.s32 @!p0 s19, $0x1  }
0x105: {  	p2 =	por p0, p2  }
.Ltmp11:
0x106: {  	_ = 	snop;
	(pc) =	sbr.rel @p2 .LBB2_19-.Ltmp11, $4  }
0x107: {  	_ = 	snop  }
0x108: {  	v6 =	vsel @!p1 vm0, v8, v6  }
0x109: {  	[tilespmem:s18+$0xBA28] =	vst @!p1 v6;
	v6 =	vsel @!p1 vm0, v9, v7  }
0x10a: {  	[tilespmem:s18+$0xFA38] =	vst @!p1 v6;
	s18 =	simm.s32 @!p0 $0x0  }
0x10b: {  	p1 =	sne.s32 s19, $0x1  }
.Ltmp12:
0x10c: {  	_ = 	snop;
	(pc) =	sbr.rel @!p1 .LBB2_15-.Ltmp12, $2  }
0x10d: {  	_ =	sdelay $0x2  }
0x10e: {  	s19 =	sadd.s32 $0xFFFFFFFF, s19;
	p0 =	por $0x0, $0x0  }
0x10f: {  	v6 =	vmov s18  }
0x110: {  	v6 =	vshrl.u32 v6, $0x3  }
0x111: {  	v6 =	vshll.u32 v6, v5  }
0x112: {  	v7 =	vbroadcast v6, $0x0;
	_ =	sdelay $0x5  }
0x113: {  	v8 =	vld.idx.msk [tilespmem:v7+s9+$0x0], $0xffff  }
0x114: {  	v7 =	vld.idx.msk [tilespmem:v7+s10+$0x0], $0xffff;
	_ =	sdelay $0x1  }
0x115: {  	v9 =	vadd.s32 $0x1, v6  }
0x116: {  	v9 =	vbroadcast v9, $0x0;
	_ =	sdelay $0x1  }
0x117: {  	v8 =	vadd.s32 v0, v8;
	v7 =	vshll.u32 v7, $0x4  }
0x118: {  	v8 =	vshll.u32 v8, $0x4;
	v7 =	vor.u32 v3, v7  }
0x119: {  	v8 =	vor.u32 v3, v8;
	[tilespmem:$0x13AC8] =	vst v7  }
0x11a: {  	[tilespmem:$0x13A48] =	vst v8  }
0x11b: {  	v7 =	vld.idx.msk [tilespmem:v9+s9+$0x0], $0xffff  }
0x11c: {  	v8 =	vld.idx.msk [tilespmem:v9+s10+$0x0], $0xffff;
	_ =	sdelay $0x1  }
0x11d: {  	v59 =	vadd.s32 $0x2, v6  }
0x11e: {  	v9 =	vbroadcast v59, $0x0;
	_ =	sdelay $0x1  }
0x11f: {  	v7 =	vadd.s32 v0, v7;
	v8 =	vshll.u32 v8, $0x4  }
0x120: {  	v7 =	vshll.u32 v7, $0x4;
	v8 =	vor.u32 v3, v8  }
0x121: {  	v7 =	vor.u32 v3, v7;
	[tilespmem:$0x13AD8] =	vst v8  }
0x122: {  	[tilespmem:$0x13A58] =	vst v7  }
0x123: {  	v7 =	vld.idx.msk [tilespmem:v9+s9+$0x0], $0xffff  }
0x124: {  	v8 =	vld.idx.msk [tilespmem:v9+s10+$0x0], $0xffff;
	_ =	sdelay $0x1  }
0x125: {  	v60 =	vadd.s32 $0x3, v6  }
0x126: {  	v9 =	vbroadcast v60, $0x0;
	_ =	sdelay $0x1  }
0x127: {  	v7 =	vadd.s32 v0, v7;
	v8 =	vshll.u32 v8, $0x4  }
0x128: {  	v7 =	vshll.u32 v7, $0x4;
	v8 =	vor.u32 v3, v8  }
0x129: {  	v7 =	vor.u32 v3, v7;
	[tilespmem:$0x13AE8] =	vst v8  }
0x12a: {  	[tilespmem:$0x13A68] =	vst v7  }
0x12b: {  	v7 =	vld.idx.msk [tilespmem:v9+s9+$0x0], $0xffff  }
0x12c: {  	v8 =	vld.idx.msk [tilespmem:v9+s10+$0x0], $0xffff;
	_ =	sdelay $0x1  }
0x12d: {  	v61 =	vadd.s32 $0x4, v6  }
0x12e: {  	v9 =	vbroadcast v61, $0x0;
	_ =	sdelay $0x1  }
0x12f: {  	v7 =	vadd.s32 v0, v7;
	v8 =	vshll.u32 v8, $0x4  }
0x130: {  	v7 =	vshll.u32 v7, $0x4;
	v8 =	vor.u32 v3, v8  }
0x131: {  	v7 =	vor.u32 v3, v7;
	[tilespmem:$0x13AF8] =	vst v8  }
0x132: {  	[tilespmem:$0x13A78] =	vst v7  }
0x133: {  	v7 =	vld.idx.msk [tilespmem:v9+s9+$0x0], $0xffff  }
0x134: {  	v8 =	vld.idx.msk [tilespmem:v9+s10+$0x0], $0xffff;
	_ =	sdelay $0x1  }
0x135: {  	v62 =	vadd.s32 $0x5, v6  }
0x136: {  	v9 =	vbroadcast v62, $0x0;
	_ =	sdelay $0x1  }
0x137: {  	v7 =	vadd.s32 v0, v7;
	v8 =	vshll.u32 v8, $0x4  }
0x138: {  	v7 =	vshll.u32 v7, $0x4;
	v8 =	vor.u32 v3, v8  }
0x139: {  	v7 =	vor.u32 v3, v7;
	[tilespmem:$0x13B08] =	vst v8  }
0x13a: {  	[tilespmem:$0x13A88] =	vst v7  }
0x13b: {  	v7 =	vld.idx.msk [tilespmem:v9+s9+$0x0], $0xffff  }
0x13c: {  	v8 =	vld.idx.msk [tilespmem:v9+s10+$0x0], $0xffff;
	_ =	sdelay $0x1  }
0x13d: {  	v63 =	vadd.s32 $0x6, v6  }
0x13e: {  	v9 =	vbroadcast v63, $0x0;
	_ =	sdelay $0x1  }
0x13f: {  	v7 =	vadd.s32 v0, v7;
	v8 =	vshll.u32 v8, $0x4  }
0x140: {  	v7 =	vshll.u32 v7, $0x4;
	v8 =	vor.u32 v3, v8  }
0x141: {  	v7 =	vor.u32 v3, v7;
	[tilespmem:$0x13B18] =	vst v8  }
0x142: {  	[tilespmem:$0x13A98] =	vst v7  }
0x143: {  	v7 =	vld.idx.msk [tilespmem:v9+s9+$0x0], $0xffff  }
0x144: {  	v8 =	vld.idx.msk [tilespmem:v9+s10+$0x0], $0xffff;
	_ =	sdelay $0x1  }
0x145: {  	v6 =	vadd.s32 $0x7, v6  }
0x146: {  	v6 =	vbroadcast v6, $0x0;
	_ =	sdelay $0x1  }
0x147: {  	v7 =	vadd.s32 v0, v7;
	v8 =	vshll.u32 v8, $0x4  }
0x148: {  	v7 =	vshll.u32 v7, $0x4;
	v8 =	vor.u32 v3, v8  }
0x149: {  	v7 =	vor.u32 v3, v7;
	[tilespmem:$0x13B28] =	vst v8  }
0x14a: {  	[tilespmem:$0x13AA8] =	vst v7  }
0x14b: {  	v7 =	vld.idx.msk [tilespmem:v6+s9+$0x0], $0xffff;
	_ =	sdelay $0x1  }
0x14c: {  	v6 =	vld.idx.msk [tilespmem:v6+s10+$0x0], $0xffff  }
0x14d: {  	p1 =	sne.s32 s19, $0x1  }
.Ltmp13:
0x14e: {  	_ = 	snop;
	(pc) =	sbr.rel @!p1 .LBB2_18-.Ltmp13, $4  }
0x14f: {  	v7 =	vadd.s32 v0, v7  }
0x150: {  	v7 =	vshll.u32 v7, $0x4  }
0x151: {  	v6 =	vshll.u32 v6, $0x4;
	v7 =	vor.u32 v3, v7  }
0x152: {  	s19 =	sadd.s32 $0xFFFFFFFF, s19;
	s18 =	sadd.s32 $0x8, s18;
	p0 =	por $0x1, $0x1;
	v6 =	vor.u32 v3, v6;
	[tilespmem:$0x13AB8] =	vst v7  }
.LBB2_17:
0x153: {  	p1 =	sne.s32 s19, $0x1;
	s19 =	sadd.s32 $0xFFFFFFFF, s19;
	v7 =	vmov s18;
	[tilespmem:$0x13B38] =	vst v6  }
0x154: {  	v6 =	vshrl.u32 v7, $0x3;
	[tilespmem:s13], [sflag:$0x2] =	stream.indirect.gather [hbm4b:s4+s11], $0x1, s12, s11, $0xb8;
	[tilespmem:$0x13C18] =	vst v63  }
0x155: {  	v6 =	vshll.u32 v6, v5;
	_ =	swait.ge [sflag:s14], $0x80  }
0x156: {  	v7 =	vbroadcast v6, $0x0;
	v8 =	vadd.s32 $0x1, v6;
	v9 =	vadd.s32 $0x2, v6;
	[sflag:s14] =	ssyncset.done $0x0  }
0x157: {  	v10 =	vadd.s32 $0x3, v6;
	v11 =	vadd.s32 $0x4, v6;
	v12 =	vadd.s32 $0x5, v6;
	[sflag:s14] =	ssyncadd.s32 $0xFFFFFF80  }
0x158: {  	v13 =	vadd.s32 $0x6, v6;
	v6 =	vadd.s32 $0x7, v6;
	[hbm4b:s3+s11] =	stream.indirect.scatter [tilespmem:s13], [sflag:$0x3], $0x1, s15, s11, $0xb8;
	[tilespmem:$0x13C18] =	vst v63  }
0x159: {  	_ =	swait.ge [sflag:s16], $0x80  }
0x15a: {  	[sflag:s16] =	ssyncset.done $0x0  }
0x15b: {  	[sflag:s16] =	ssyncadd.s32 $0xFFFFFF80  }
0x15c: {  	v14 =	vld.idx.msk [tilespmem:v7+s9+$0x0], $0xffff  }
0x15d: {  	v7 =	vld.idx.msk [tilespmem:v7+s10+$0x0], $0xffff;
	_ =	sdelay $0x3  }
0x15e: {  	v8 =	vbroadcast v8, $0x0  }
0x15f: {  	v14 =	vadd.s32 v0, v14  }
0x160: {  	v14 =	vshll.u32 v14, $0x4;
	v7 =	vshll.u32 v7, $0x4  }
0x161: {  	v14 =	vor.u32 v3, v14;
	v7 =	vor.u32 v3, v7  }
0x162: {  	[tilespmem:$0x13A48] =	vst v14  }
0x163: {  	[tilespmem:$0x13AC8] =	vst v7  }
0x164: {  	v7 =	vld.idx.msk [tilespmem:v8+s9+$0x0], $0xffff  }
0x165: {  	v8 =	vld.idx.msk [tilespmem:v8+s10+$0x0], $0xffff;
	_ =	sdelay $0x3  }
0x166: {  	v9 =	vbroadcast v9, $0x0  }
0x167: {  	v7 =	vadd.s32 v0, v7  }
0x168: {  	v7 =	vshll.u32 v7, $0x4;
	v8 =	vshll.u32 v8, $0x4  }
0x169: {  	v7 =	vor.u32 v3, v7;
	v8 =	vor.u32 v3, v8  }
0x16a: {  	[tilespmem:$0x13A58] =	vst v7  }
0x16b: {  	[tilespmem:$0x13AD8] =	vst v8  }
0x16c: {  	v7 =	vld.idx.msk [tilespmem:v9+s9+$0x0], $0xffff  }
0x16d: {  	v8 =	vld.idx.msk [tilespmem:v9+s10+$0x0], $0xffff;
	_ =	sdelay $0x3  }
0x16e: {  	v9 =	vbroadcast v10, $0x0  }
0x16f: {  	v7 =	vadd.s32 v0, v7  }
0x170: {  	v7 =	vshll.u32 v7, $0x4;
	v8 =	vshll.u32 v8, $0x4  }
0x171: {  	v7 =	vor.u32 v3, v7;
	v8 =	vor.u32 v3, v8  }
0x172: {  	[tilespmem:$0x13A68] =	vst v7  }
0x173: {  	[tilespmem:$0x13AE8] =	vst v8  }
0x174: {  	v7 =	vld.idx.msk [tilespmem:v9+s9+$0x0], $0xffff  }
0x175: {  	v8 =	vld.idx.msk [tilespmem:v9+s10+$0x0], $0xffff;
	_ =	sdelay $0x3  }
0x176: {  	v9 =	vbroadcast v11, $0x0  }
0x177: {  	v7 =	vadd.s32 v0, v7  }
0x178: {  	v7 =	vshll.u32 v7, $0x4;
	v8 =	vshll.u32 v8, $0x4  }
0x179: {  	v7 =	vor.u32 v3, v7;
	v8 =	vor.u32 v3, v8  }
0x17a: {  	[tilespmem:$0x13A78] =	vst v7  }
0x17b: {  	[tilespmem:$0x13AF8] =	vst v8  }
0x17c: {  	v7 =	vld.idx.msk [tilespmem:v9+s9+$0x0], $0xffff  }
0x17d: {  	v8 =	vld.idx.msk [tilespmem:v9+s10+$0x0], $0xffff;
	_ =	sdelay $0x3  }
0x17e: {  	v9 =	vbroadcast v12, $0x0  }
0x17f: {  	v7 =	vadd.s32 v0, v7  }
0x180: {  	v7 =	vshll.u32 v7, $0x4;
	v8 =	vshll.u32 v8, $0x4  }
0x181: {  	v7 =	vor.u32 v3, v7;
	v8 =	vor.u32 v3, v8  }
0x182: {  	[tilespmem:$0x13A88] =	vst v7  }
0x183: {  	[tilespmem:$0x13B08] =	vst v8  }
0x184: {  	v7 =	vld.idx.msk [tilespmem:v9+s9+$0x0], $0xffff  }
0x185: {  	v8 =	vld.idx.msk [tilespmem:v9+s10+$0x0], $0xffff;
	_ =	sdelay $0x3  }
0x186: {  	v9 =	vbroadcast v13, $0x0  }
0x187: {  	v7 =	vadd.s32 v0, v7  }
0x188: {  	v7 =	vshll.u32 v7, $0x4;
	v8 =	vshll.u32 v8, $0x4  }
0x189: {  	v7 =	vor.u32 v3, v7;
	v8 =	vor.u32 v3, v8  }
0x18a: {  	[tilespmem:$0x13A98] =	vst v7  }
0x18b: {  	[tilespmem:$0x13B18] =	vst v8  }
0x18c: {  	v7 =	vld.idx.msk [tilespmem:v9+s9+$0x0], $0xffff  }
0x18d: {  	v8 =	vld.idx.msk [tilespmem:v9+s10+$0x0], $0xffff;
	_ =	sdelay $0x3  }
0x18e: {  	v6 =	vbroadcast v6, $0x0  }
0x18f: {  	v7 =	vadd.s32 v0, v7  }
0x190: {  	v7 =	vshll.u32 v7, $0x4;
	v8 =	vshll.u32 v8, $0x4  }
0x191: {  	v7 =	vor.u32 v3, v7;
	v8 =	vor.u32 v3, v8  }
0x192: {  	[tilespmem:$0x13AA8] =	vst v7  }
0x193: {  	[tilespmem:$0x13B28] =	vst v8  }
0x194: {  	v7 =	vld.idx.msk [tilespmem:v6+s9+$0x0], $0xffff  }
0x195: {  	v6 =	vld.idx.msk [tilespmem:v6+s10+$0x0], $0xffff;
	_ =	sdelay $0x3  }
.Ltmp14:
0x196: {  	(pc) =	sbr.rel @p1 .LBB2_17-.Ltmp14, $4  }
0x197: {  	v7 =	vadd.s32 v0, v7  }
0x198: {  	v7 =	vshll.u32 v7, $0x4;
	v6 =	vshll.u32 v6, $0x4  }
0x199: {  	v7 =	vor.u32 v3, v7;
	v6 =	vor.u32 v3, v6  }
0x19a: {  	s18 =	sadd.s32 $0x8, s18;
	[tilespmem:$0x13AB8] =	vst v7  }
.Ltmp15:
0x19b: {  	_ = 	snop;
	(pc) =	sbr.rel .LBB2_18-.Ltmp15, $1  }
0x19c: {  	_ =	sdelay $0x3  }
.LBB2_9:
.Ltmp16:
0x19d: {  	(pc) =	sbr.rel .LBB2_13-.Ltmp16, $2  }
0x19e: {  	_ =	sdelay $0x2  }
0x19f: {  	s21 =	simm.s32 $0x0;
	s22 =	simm.s32 $0xFA38;
	s20 =	simm.s32 $0x0  }
.LBB2_11:
.Ltmp17:
0x1a0: {  	(pc) =	sbr.rel .LBB2_13-.Ltmp17, $2  }
0x1a1: {  	_ =	sdelay $0x2  }
0x1a2: {  	s22 =	simm.s32 $0xFA38;
	s20 =	simm.s32 $0x0  }
.LBB2_20:
0x1a3: {  	_ =	sfence.sel $0x180000  }
0x1a4: {  	[bflag:$0x0] =	sbarrier.arrive $0xFFFF  }
0x1a5: {  	p0 =	sne.s32 s2, $0x0;
	_ =	strace $0x90000047  }
0x1a6: {  	s0 =	sadd.s32 @!p0 $0x100000, s0;
	[bflag:$0x2] =	sbarrier.arrive $0xFFFF  }
0x1a7: {  	[sflag:s0] =	ssyncadd.tile.s32 @!p0 $0x1;
	_ =	shalt  }
.Lfunc_end2:
_tile_overlayer_lowered:
.L_overlay_start_2:
0x1a8: {  	(tag) =	ssettag $0x2  }
0x1a9: {  	s0 =	rddreg [dreg:$0x0];
	s2 =	stileid.u32  }
0x1aa: {  	s1 =	rddreg [dreg:$0x1];
	p0 =	sne.s32 s2, $0x0  }
0x1ab: {  	s3 =	rddreg [dreg:$0x2];
	[bflag:$0x3] =	sbarrier.arrive $0xFFFF;
	s2 =	simm.s32 @!p0 $0x1C04  }
0x1ac: {  	[timem:s3], [sflag:s2] =	dma.local @!p0 [hbm:s0], s1  }
0x1ad: {  	s0 =	simm.s32 @!p0 $0x4  }
0x1ae: {  	_ =	swait.ge @!p0 [sflag:s0], s1  }
0x1af: {  	s1 =	ssub.s32 @!p0 $0x0, s1;
	[sflag:s0] =	ssyncset.done @!p0 $0x0  }
0x1b0: {  	[sflag:s0] =	ssyncadd.s32 @!p0 s1  }
0x1b1: {  	[bflag:$0x3] =	sbarrier.arrive $0xFFFF  }
0x1b2: {  	_ =	shalt  }

// kernel: sparse-core-data-format-call.cloned.1.call-start
scs
called_computation_lowered:
.L_overlay_start_0:
0x0: {  	s2 =	sld [smem:$0x3FD9]  }
0x1: {  	s3 =	sld [smem:$0x3FFE];
	_ =	sdelay $0x1  }
0x2: {  	s1 =	srdreg.scid  }
0x3: {  	s0 =	sand.u32 $0x1, s1  }
0x4: {  	s18 =	sshll.u32 s0, $0xA;
	s2 =	sadd.s32 s3, s2  }
0x5: {  	s2 =	sadd.s32 s2, s18  }
0x6: {  	[smem:$0x3FC5] =	sst s2  }
0x7: {  	_ = 	snop  }
0x8: {  	s2 =	sld [smem:$0x3FD0];
	(tm) =	ssettm $0x1  }
0x9: {  	s19 =	sld [smem:$0x3FFB];
	_ =	sdelay $0x3  }
0xa: {  	_ =	strace s19  }
0xb: {  	s3 =	sld [smem:$0x3FFC];
	_ =	sdelay $0x3  }
0xc: {  	_ =	strace s3  }
0xd: {  	s3 =	sld [smem:$0x3FFD];
	_ =	sdelay $0x3  }
0xe: {  	_ =	strace s3  }
0xf: {  	_ =	strace $0x8FFFFFFF  }
0x10: {  	s20 =	sld [smem:$0x3FDB];
	_ =	sdelay $0x1  }
0x11: {  	s4 =	simm.s32 $_scs_section_size  }
0x12: {  	s5 =	simm.s32 $_size__tile_overlayer_lowered;
	s6 =	simm.s32 $_tile_overlayer_lowered  }
0x13: {  	s23 =	simm.s32 $0x1BFF;
	s22 =	sshll.u32 s6, $0x1;
	s3 =	sadd.s32 s4, s20  }
0x14: {  	s7 =	simm.s32 $0x0;
	s21 =	sshll.u32 s5, $0x1;
	s5 =	sadd.s32 s22, s3  }
0x15: {  	[timem:s7], [sflag:s23] =	dma.local [hbm:s5], s21  }
0x16: {  	_ =	swait.ge [sflag:s23], s21  }
0x17: {  	s4 =	ssub.s32 $0x0, s21;
	[sflag:s23] =	ssyncset.done $0x0  }
0x18: {  	[sflag:s23] =	ssyncadd.s32 s4;
	_ =	sdelay $0x1  }
0x19: {  	s24 =	simm.s32 $0x1B8B  }
0x1a: {  	_ =	swait.ge [sflag:s24], $0x1  }
0x1b: {  	[sflag:s24] =	ssyncset.done $0x0  }
0x1c: {  	s26 =	simm.s32 $0x1B8E;
	s25 =	sld [smem:$0x3FFE];
	[sflag:s24] =	ssyncadd.s32 $0xFFFFFFFF  }
0x1d: {  	s27 =	simm.s32 $execute0_lowered;
	[smem:$0x3FD2] =	sst s26  }
0x1e: {  	s5 =	sshll.u32 s27, $0x1;
	_ =	strace $0x80000049;
	[dreg:$0x1] =	wrdreg $0xFFFFFFFF  }
0x1f: {  	s28 =	simm.s32 $_size_execute0_lowered;
	s3 =	sadd.s32 s3, s5;
	[dreg:$0x0] =	wrdreg $0x0  }
0x20: {  	s5 =	sshll.u32 s28, $0x1;
	[dreg:$0x2] =	wrdreg s3  }
0x21: {  	[dreg:$0x3] =	wrdreg s5  }
0x22: {  	[dreg:$0x4] =	wrdreg $0xC0  }
0x23: {  	_ =	task [dreg:s7], $0x5FFFF  }
0x24: {  	[dreg:$0x1] =	wrdreg $0xFFFFFFFF  }
0x25: {  	[dreg:$0x0] =	wrdreg $0x60  }
0x26: {  	[dreg:$0x2] =	wrdreg s25  }
0x27: {  	[dreg:$0x3] =	wrdreg s2  }
0x28: {  	[dreg:$0x4] =	wrdreg $0x9  }
0x29: {  	_ =	task.clear_ibuf [dreg:s7], $0x5FFFF;
	_ =	strace $0x90000049  }
0x2a: {  	s29 =	simm.s32 $0x9;
	_ =	strace $0x8000004B  }
0x2b: {  	_ =	swait.ge [sflag:s29], $0x1  }
0x2c: {  	[sflag:s29] =	ssyncadd.s32 $0xFFFFFFFF  }
0x2d: {  	_ =	strace $0x9000004B  }
0x2e: {  	_ =	sfence  }
0x2f: {  	s30 =	sld [smem:$0x0];
	_ =	sdelay $0x2  }
0x30: {  	s31 =	sshll.u32 s1, $0xD;
	s1 =	sshrl.u32 s1, $0x2  }
0x31: {  	s3 =	sand.u32 $0x4000, s31;
	s1 =	sadd.s32 s1, s30  }
0x32: {  	s0 =	sor.u32 s3, s0;
	s1 =	sshll.u32 s1, $0x11  }
0x33: {  	s0 =	sor.u32 s1, s0  }
0x34: {  	s0 =	sadd.s32 $0x8F2B, s0  }
0x35: {  	[sflag:s0] =	ssyncadd.remote.s32 $0x1  }
0x36: {  	_ =	sfence.sel $0xFFFF  }
0x37: {  	[dreg:$0x0] =	wrdreg $0xFFFFFFFF;
	(pc) =	sbr.abs _section_cstart, $3  }
0x38: {  	[dreg:$0x1] =	wrdreg $0xFFFFFFFF  }
0x39: {  	_ =	task.clear_ibuf [dreg:s7], $0x2FFFF;
	_ =	strace $0x9FFFFFFF  }
0x3a: {  	(tm) =	ssettm $0x7FFFFFFF  }
0x3b: {  	_ =	shalt  }
tec
execute0_lowered:
.L_overlay_start_1:
0x0: {  	(tag) =	ssettag $0x1  }
0x1: {  	s4 =	rddreg [dreg:$0x0]  }
0x2: {  	s0 =	srdreg.scid;
	s2 =	rddreg [dreg:$0x1]  }
0x3: {  	s1 =	stileid.u32;
	s5 =	simm.s32 $0x1;
	s0 =	sshll.u32 s0, $0x4  }
0x4: {  	s7 =	simm.s32 $0x2;
	s11 =	simm.s32 $0x0;
	s3 =	sand.u32 $0x10, s0  }
.Ltmp0:
0x5: {  	p0 =	por $0x0, $0x0;
	s3 =	sor.u32 s1, s3;
	(pc) =	sbr.rel .LBB1_1-.Ltmp0, $4  }
0x6: {  	s8 =	simm.s32 $0x7A1400;
	s10 =	simm.s32 $0x0;
	s3 =	sshll.u32 s3, $0x7  }
0x7: {  	s0 =	rddreg [dreg:$0x2];
	_ =	strace $0x8000004A;
	s6 =	ssub.s32 $0xF4200, s3  }
0x8: {  	s4 =	sadd.s32 $0xA00, s4;
	[sflag:s5] =	ssyncpa.u1 $0x0;
	s6 =	sshrl.u32 s6, $0xC  }
0x9: {  	[sflag:s7] =	ssyncpa.u1 $0x0;
	s9 =	smov.u32 s3;
	s7 =	sadd.s32 $0x2, s6  }
.LBB1_5:
0xa: {  	s13 =	sadd.s32 $0x1000, s9  }
0xb: {  	p2 =	sgt.s32 s13, $0xF423F  }
0xc: {  	s13 =	smov.u32 @p2 s3;
	p2 =	sne.s32 s10, s7  }
.Ltmp1:
0xd: {  	p1 =	slt.u32 s10, $0x2;
	(pc) =	sbr.rel @!p2 .LBB1_6-.Ltmp1, $4  }
0xe: {  	s12 =	simm.s32 @!p1 $0x2  }
0xf: {  	s14 =	sadd.s32 $0x1, s10;
	_ =	swait.ge @!p1 [sflag:s12], $0x800  }
0x10: {  	s11 =	smov.u32 s9;
	p0 =	por !p0, !p0;
	[sflag:s12] =	ssyncset.done @!p1 $0x0  }
0x11: {  	s10 =	smov.u32 s14;
	s9 =	smov.u32 s13;
	[sflag:s12] =	ssyncadd.s32 @!p1 $0xFFFFF800  }
.LBB1_1:
0x12: {  	p1 =	sgt.u32 s10, s6  }
0x13: {  	s13 =	smov.u32 s9;
	p2 =	sgt.s32 @!p1 s9, $0xF41C0  }
0x14: {  	s12 =	sand.u32 @!p1 $0x1FFFFFF, s9;
	s14 =	sshra.s32 @!p1 s9, $0x1F;
	p2 =	por !p2, p1  }
0x15: {  	s15 =	smulhi.u32 @!p1 $0x218DEF5, s12;
	s14 =	sand.u32 @!p1 s14, s9;
	s13 =	simm.s32 @p2 $0xF41C0  }
0x16: {  	s13 =	ssub.s32 @!p1 s13, s14  }
0x17: {  	s14 =	sshrl.u32 @!p1 s15, $0xD;
	s13 =	sadd.s32 @!p1 $0xFFF0BE40, s13  }
0x18: {  	s15 =	sxor.u32 @!p1 $0xFFFFFFFF, s10;
	s14 =	smul.u32 @!p1 $0xF4240, s14;
	s16 =	sshll.u32 @!p1 s13, $0x6  }
0x19: {  	s15 =	sshll.u32 @!p1 s15, $0xB;
	p2 =	sgt.s32 @!p1 s13, $0x7F;
	s13 =	ssub.s32 @!p1 $0x2000, s16  }
0x1a: {  	s12 =	ssub.s32 @!p1 s12, s14;
	p2 =	por !p2, p1;
	s14 =	sand.u32 @!p1 $0x800, s15  }
0x1b: {  	s15 =	simm.s32 @!p1 $0x10;
	s13 =	sshrl.u32 @!p1 s13, $0x2;
	s12 =	sshll.u32 @!p1 s12, $0x4  }
0x1c: {  	s16 =	simm.s32 @!p1 $0x80;
	s13 =	simm.s32 @!p2 $0x0;
	s12 =	sadd.s32 @!p1 s4, s12  }
0x1d: {  	[tilespmem:s14], [sflag:$0x1] =	stream.strided.gather @!p1 [hbm4b:s12+s15], s13, s16, s15, $0x38;
	[tilespmem:$0x2020] =	vst v63  }
0x1e: {  	p1 =	seq.s32 s10, $0x0  }
0x1f: {  	p2 =	sge.u32 @!p1 s10, s7  }
0x20: {  	p1 =	por p1, p2  }
.Ltmp2:
0x21: {  	_ = 	snop;
	(pc) =	sbr.rel @p1 .LBB1_5-.Ltmp2, $1  }
0x22: {  	_ =	sdelay $0x3  }
0x23: {  	p1 =	sgt.s32 s11, $0xF41C0;
	s12 =	smov.u32 s11;
	s13 =	sshra.s32 s11, $0x1F  }
0x24: {  	s12 =	simm.s32 @!p1 $0xF41C0;
	s13 =	sand.u32 s13, s11  }
0x25: {  	s12 =	ssub.s32 s12, s13  }
0x26: {  	s12 =	sadd.s32 $0xFFF0BE40, s12  }
0x27: {  	s29 =	sshll.u32 s12, $0x6  }
0x28: {  	s13 =	ssub.s32 $0x2000, s29  }
0x29: {  	p1 =	sgt.s32 s12, $0x7F;
	s12 =	sshrl.u32 s13, $0x2  }
0x2a: {  	s13 =	simm.s32 $0x1;
	s12 =	simm.s32 @p1 $0x0  }
0x2b: {  	s13 =	simm.s32 @!p0 $0x0;
	_ =	swait.ge [sflag:s5], s12  }
0x2c: {  	s14 =	sshll.u32 s13, $0xB;
	s12 =	ssub.s32 $0x0, s12;
	[sflag:s5] =	ssyncset.done $0x0  }
0x2d: {  	s15 =	sor.u32 $0x40, s14;
	[sflag:s5] =	ssyncadd.s32 s12  }
0x2e: {  	v1 =	vld [tilespmem:s15+$0x30]  }
0x2f: {  	s30 =	smul.u32 $0x2040, s13;
	v4 =	vld [tilespmem:s15+$0xFFFFFFD0]  }
0x30: {  	v5 =	vld [tilespmem:s15+$0xFFFFFFE0]  }
0x31: {  	s31 =	sand.u32 $0x1, s10;
	s12 =	sshrl.u32 s30, $0x2;
	v2 =	vld [tilespmem:s15+$0xFFFFFFF0]  }
0x32: {  	s13 =	smul.u32 $0x2040, s31;
	s12 =	sor.u32 $0x1007, s12;
	v3 =	vld [tilespmem:s15+$0x0]  }
0x33: {  	v0 =	vld [tilespmem:s15+$0x10];
	[tilespmem:s12+$0x0 ss:$0x81] =	vst.msk $0xffff, v1  }
0x34: {  	s13 =	sshrl.u32 s13, $0x2;
	[tilespmem:s12+$0xFFFFFFFA ss:$0x81] =	vst.msk $0xffff, v4;
	v4 =	vld [tilespmem:s15+$0x20]  }
0x35: {  	s14 =	simm.s32 $0x0;
	s13 =	sor.u32 $0x1000, s13;
	v1 =	vld [tilespmem:s15+$0xFFFFFFC0];
	[tilespmem:s12+$0xFFFFFFFB ss:$0x81] =	vst.msk $0xffff, v5;
	s15 =	sadd.s32 $0x80, s15  }
.LBB1_3:
0x36: {  	v5 =	vld [tilespmem:s15+$0x30];
	s14 =	sadd.s32 $0x8, s14;
	[tilespmem:s12+$0xFFFFFFFC ss:$0x81] =	vst.msk $0xffff, v2  }
0x37: {  	v6 =	vld [tilespmem:s15+$0xFFFFFFD0];
	p1 =	slt.u32 s14, $0x78;
	[tilespmem:s12+$0xFFFFFFFD ss:$0x81] =	vst.msk $0xffff, v3  }
0x38: {  	v7 =	vld [tilespmem:s15+$0xFFFFFFE0];
	[tilespmem:s12+$0xFFFFFFFE ss:$0x81] =	vst.msk $0xffff, v0  }
.Ltmp3:
0x39: {  	v2 =	vld [tilespmem:s15+$0xFFFFFFF0];
	[tilespmem:s12+$0xFFFFFFFF ss:$0x81] =	vst.msk $0xffff, v4;
	(pc) =	sbr.rel @p1 .LBB1_3-.Ltmp3, $4  }
0x3a: {  	v3 =	vld [tilespmem:s15+$0x0];
	[tilespmem:s12+$0xFFFFFFF9 ss:$0x81] =	vst.msk $0xffff, v1;
	s12 =	sadd.s32 $0x8, s12  }
0x3b: {  	v0 =	vld [tilespmem:s15+$0x10];
	[tilespmem:s12+$0x0 ss:$0x81] =	vst.msk $0xffff, v5  }
0x3c: {  	[tilespmem:s12+$0xFFFFFFFA ss:$0x81] =	vst.msk $0xffff, v6;
	v4 =	vld [tilespmem:s15+$0x20]  }
0x3d: {  	v1 =	vld [tilespmem:s15+$0xFFFFFFC0];
	[tilespmem:s12+$0xFFFFFFFB ss:$0x81] =	vst.msk $0xffff, v7;
	s15 =	sadd.s32 $0x80, s15  }
0x3e: {  	s14 =	sshll.u32 s11, $0x3  }
0x3f: {  	s30 =	sand.u32 $0x7F, s11;
	s14 =	sand.u32 $0xFFFFFC00, s14  }
0x40: {  	s11 =	sor.u32 s30, s14  }
0x41: {  	s15 =	smulhi.u32 $0x218D6287, s11;
	_ =	sdelay $0x1  }
0x42: {  	s14 =	smulhi.u32 $0x218D6287, s14;
	s15 =	sshrl.u32 s15, $0x11  }
0x43: {  	s15 =	smul.u32 $0xF4280, s15  }
0x44: {  	[tilespmem:s12+$0xFFFFFFFC ss:$0x81] =	vst.msk $0xffff, v2;
	s14 =	sshrl.u32 s14, $0x11  }
.Ltmp4:
0x45: {  	[tilespmem:s12+$0xFFFFFFFD ss:$0x81] =	vst.msk $0xffff, v3;
	s14 =	sand.u32 $0xF, s14;
	s11 =	ssub.s32 s11, s15;
	(pc) =	sbr.rel .LBB1_5-.Ltmp4, $4  }
0x46: {  	[tilespmem:s12+$0xFFFFFFFE ss:$0x81] =	vst.msk $0xffff, v0;
	s14 =	smul.u32 $0x1E850, s14;
	s15 =	sshrl.u32 s11, $0x3;
	s11 =	sand.u32 $0x7, s11  }
0x47: {  	[tilespmem:s12+$0xFFFFFFFF ss:$0x81] =	vst.msk $0xffff, v4;
	s15 =	sadd.s32 s2, s15;
	s11 =	sshll.u32 s11, $0x12  }
0x48: {  	[tilespmem:s12+$0xFFFFFFF9 ss:$0x81] =	vst.msk $0xffff, v1;
	s31 =	sadd.s32 s14, s15;
	s11 =	sor.u32 $0x400, s11  }
0x49: {  	[hbm4b:s31+s11] =	stream.strided.scatter [tilespmem:s13], [sflag:$0x2], $0x800, s8, s11, $0x20;
	[tilespmem:$0x2020] =	vst v63  }
.LBB1_6:
0x4a: {  	_ =	sfence.sel $0x180000  }
0x4b: {  	s2 =	simm.s32 $0x1;
	[bflag:$0x0] =	sbarrier.arrive $0xFFFF  }
0x4c: {  	s31 =	simm.s32 $0x2;
	[sflag:s2] =	ssyncpa.u1 $0x1  }
0x4d: {  	[sflag:s31] =	ssyncpa.u1 $0x1  }
0x4e: {  	p0 =	sne.s32 s1, $0x0;
	_ =	strace $0x9000004A  }
0x4f: {  	s0 =	sadd.s32 @!p0 $0x100000, s0;
	[bflag:$0x2] =	sbarrier.arrive $0xFFFF  }
0x50: {  	[sflag:s0] =	ssyncadd.tile.s32 @!p0 $0x1;
	_ =	shalt  }
.Lfunc_end1:
_tile_overlayer_lowered:
.L_overlay_start_2:
0x51: {  	(tag) =	ssettag $0x2  }
0x52: {  	s0 =	rddreg [dreg:$0x0];
	s2 =	stileid.u32  }
0x53: {  	s1 =	rddreg [dreg:$0x1];
	p0 =	sne.s32 s2, $0x0  }
0x54: {  	s3 =	rddreg [dreg:$0x2];
	[bflag:$0x3] =	sbarrier.arrive $0xFFFF;
	s2 =	simm.s32 @!p0 $0x1C01  }
0x55: {  	[timem:s3], [sflag:s2] =	dma.local @!p0 [hbm:s0], s1  }
0x56: {  	s0 =	simm.s32 @!p0 $0x1  }
0x57: {  	_ =	swait.ge @!p0 [sflag:s0], s1  }
0x58: {  	s1 =	ssub.s32 @!p0 $0x0, s1;
	[sflag:s0] =	ssyncset.done @!p0 $0x0  }
0x59: {  	[sflag:s0] =	ssyncadd.s32 @!p0 s1  }
0x5a: {  	[bflag:$0x3] =	sbarrier.arrive $0xFFFF  }
0x5b: {  	_ =	shalt  }

</sc_bundles>
